<compile_context>
chip_gen: v7x
topology: tpu7x:2x2x1
jax: 0.10.2.dev20260603
libtpu: 0.0.44.dev20260713+nightly
codegen_flags: <defaults>
</compile_context>

<pallas_src>
import functools

import jax
import jax.numpy as jnp
from jax import lax
from jax.experimental import pallas as pl
from jax.experimental.pallas import tpu as pltpu
from jax.experimental.pallas import tpu_sc as plsc

B, S, F = 2, 8192, 2048
T = 256
FB = 128
NV = FB // 16
G = S // T
NC, NS = 2, 16
NFBLK = F // FB


def _compute_block(buf, cs):

    def sbody(s, cs):
        out = []
        for j in range(NV):
            c = cs[j] + buf[s, j * 16:(j + 1) * 16]
            buf[s, j * 16:(j + 1) * 16] = c
            out.append(c)
        return tuple(out)

    return lax.fori_loop(0, T, sbody, cs)


NBUF = 3


def _scan_body(x_hbm, o_hbm, buf0, buf1, buf2, ld0, ld1, ld2, st0, st1, st2):
    wid = lax.axis_index("s") * NC + lax.axis_index("c")
    b = wid // NFBLK
    f0 = (wid % NFBLK) * FB
    bufs = (buf0, buf1, buf2)
    lds = (ld0, ld1, ld2)
    sts = (st0, st1, st2)

    def load(g, k):
        pltpu.make_async_copy(
            x_hbm.at[b, pl.ds(g * T, T), pl.ds(f0, FB)], bufs[k], lds[k]
        ).start()

    def store_start(g, k):
        pltpu.make_async_copy(
            bufs[k], o_hbm.at[b, pl.ds(g * T, T), pl.ds(f0, FB)], sts[k]
        ).start()

    def store_wait(g, k):
        pltpu.make_async_copy(
            bufs[k], o_hbm.at[b, pl.ds(g * T, T), pl.ds(f0, FB)], sts[k]
        ).wait()

    load(0, 0)
    load(1, 1)
    czero = jnp.zeros((16,), jnp.float32)

    def outer(i, cs):
        for k in range(NBUF):
            g = NBUF * i + k
            nk = (k + 2) % NBUF

            @pl.when((g >= 1) & (g + 2 < G))
            def _():
                store_wait(g - 1, nk)

            @pl.when(g + 2 < G)
            def _():
                load(g + 2, nk)

            pltpu.make_async_copy(
                x_hbm.at[b, pl.ds(g * T, T), pl.ds(f0, FB)], bufs[k], lds[k]
            ).wait()
            cs = _compute_block(bufs[k], cs)
            store_start(g, k)
        return cs

    cs = lax.fori_loop(0, G // NBUF, outer, (czero,) * NV)
    for g in range((G // NBUF) * NBUF, G):
        k = g % NBUF
        pltpu.make_async_copy(
            x_hbm.at[b, pl.ds(g * T, T), pl.ds(f0, FB)], bufs[k], lds[k]
        ).wait()
        cs = _compute_block(bufs[k], cs)
        store_start(g, k)
    for g in range(G - NBUF, G):
        store_wait(g, g % NBUF)


def kernel(x):
    
    mesh = plsc.VectorSubcoreMesh(core_axis_name="c", subcore_axis_name="s")

    scan = functools.partial(
        pl.kernel,
        mesh=mesh,
        out_type=jax.ShapeDtypeStruct((B, S, F), jnp.float32),
        scratch_types=(
            [pltpu.VMEM((T, FB), jnp.float32)] * NBUF
            + [pltpu.SemaphoreType.DMA] * (2 * NBUF)
        ),
    )(_scan_body)

    return scan(x)

# --- scband reference (transcript-rebuilt; emitter-appended) ---
"""Pipeline reference for scband-model-new-14723147890918 (READ-ONLY COPY).

The authoritative reference and input builder live on the scoring server;
editing this copy changes nothing except your own understanding.
"""

import jax, jax.numpy as jnp
import numpy as np

DIM = 1

def setup_inputs(seed: int = 0) -> dict:
    key = jax.random.key(seed)
    x = jax.random.normal(key, (2, 8192, 2048), dtype=jnp.float32)
    return {"x": x}

def reference(x):
    # The module computes a cumulative sum along self.dim.
    return jnp.cumsum(x, axis=DIM)

if __name__ == "__main__":
    import jax
    _d = setup_inputs()
    print(jax.jit(kernel)(*tuple(_d.values())))

</pallas_src>

<mosaic_0001>
#map = affine_map<(d0, d1) -> (0, 0, 0)>
module attributes {stable_mosaic.version = 14 : i64} {
  func.func @_scan_body(%arg0: i32, %arg1: i32, %arg2: memref<2x8192x2048xf32, #tpu.memory_space<hbm>>, %arg3: memref<2x8192x2048xf32, #tpu.memory_space<hbm>>, %arg4: memref<256x128xf32, #tpu.memory_space<vmem>>, %arg5: memref<256x128xf32, #tpu.memory_space<vmem>>, %arg6: memref<256x128xf32, #tpu.memory_space<vmem>>, %arg7: memref<!tpu.dma_semaphore, #tpu.memory_space<semaphore_mem>>, %arg8: memref<!tpu.dma_semaphore, #tpu.memory_space<semaphore_mem>>, %arg9: memref<!tpu.dma_semaphore, #tpu.memory_space<semaphore_mem>>, %arg10: memref<!tpu.dma_semaphore, #tpu.memory_space<semaphore_mem>>, %arg11: memref<!tpu.dma_semaphore, #tpu.memory_space<semaphore_mem>>, %arg12: memref<!tpu.dma_semaphore, #tpu.memory_space<semaphore_mem>>) attributes {dimension_semantics = [#tpu.dimension_semantics<core_parallel>, #tpu.dimension_semantics<subcore_parallel>], iteration_bounds = array<i64: 2, 16>, scalar_prefetch = 0 : i64, scratch_operands = 9 : i64, tpu.core_type = #tpu.core_type<sc_vector_subcore>, window_params = [{transform_indices = #map}, {transform_indices = #map}]} {
    %mul3A = arith.constant 2 : i32
    %mul3A_0 = arith.muli %arg1, %mul3A : i32
    %add3A = arith.addi %mul3A_0, %arg0 : i32
    %jit3A = arith.constant 16 : i32
    %div3A = arith.divsi %add3A, %jit3A : i32
    %sign3A = arith.constant 0 : i32
    %sign3A_1 = arith.cmpi sgt, %add3A, %sign3A : i32
    %sign3A_2 = arith.extui %sign3A_1 : i1 to i32
    %sign3A_3 = arith.constant 0 : i32
    %sign3A_4 = arith.cmpi slt, %add3A, %sign3A_3 : i32
    %sign3A_5 = arith.extui %sign3A_4 : i1 to i32
    %sign3A_6 = arith.subi %sign3A_2, %sign3A_5 : i32
    %sign3A_7 = arith.constant 0 : i32
    %sign3A_8 = arith.cmpi sgt, %jit3A, %sign3A_7 : i32
    %sign3A_9 = arith.extui %sign3A_8 : i1 to i32
    %sign3A_10 = arith.constant 0 : i32
    %sign3A_11 = arith.cmpi slt, %jit3A, %sign3A_10 : i32
    %sign3A_12 = arith.extui %sign3A_11 : i1 to i32
    %sign3A_13 = arith.subi %sign3A_9, %sign3A_12 : i32
    %ne3A = arith.cmpi ne, %sign3A_6, %sign3A_13 : i32
    %rem3A = arith.remsi %add3A, %jit3A : i32
    %ne3A_14 = arith.constant 0 : i32
    %ne3A_15 = arith.cmpi ne, %rem3A, %ne3A_14 : i32
    %and3A = arith.andi %ne3A, %ne3A_15 : i1
    %sub3A = arith.constant 1 : i32
    %sub3A_16 = arith.subi %div3A, %sub3A : i32
    %select_n3A = arith.select %and3A, %sub3A_16, %div3A : i32
    %jit3A_17 = arith.constant 16 : i32
    %eq3A = arith.constant 0 : i32
    %eq3A_18 = arith.cmpi eq, %jit3A_17, %eq3A : i32
    %jit3A_19 = arith.constant 1 : i32
    %select_n3A_20 = arith.select %eq3A_18, %jit3A_19, %jit3A_17 : i32
    %rem3A_21 = arith.remsi %add3A, %select_n3A_20 : i32
    %ne3A_22 = arith.constant 0 : i32
    %ne3A_23 = arith.cmpi ne, %rem3A_21, %ne3A_22 : i32
    %lt3A = arith.constant 0 : i32
    %lt3A_24 = arith.cmpi slt, %rem3A_21, %lt3A : i32
    %lt3A_25 = arith.constant 0 : i32
    %lt3A_26 = arith.cmpi slt, %select_n3A_20, %lt3A_25 : i32
    %ne3A_27 = arith.xori %lt3A_24, %lt3A_26 : i1
    %and3A_28 = arith.andi %ne3A_27, %ne3A_23 : i1
    %add3A_29 = arith.addi %rem3A_21, %select_n3A_20 : i32
    %select_n3A_30 = arith.select %and3A_28, %add3A_29, %rem3A_21 : i32
    %mul3A_31 = arith.constant 128 : i32
    %mul3A_32 = arith.muli %select_n3A_30, %mul3A_31 : i32
    %dma_start3A = arith.constant 0 : i32
    %dma_start3A_33 = tpu.memref_slice %arg2[%select_n3A, %dma_start3A, %mul3A_32] : memref<2x8192x2048xf32, #tpu.memory_space<hbm>> -> memref<1x256x128xf32, #tpu.memory_space<hbm>>
    %dma_start3A_34 = tpu.memref_squeeze %dma_start3A_33 : memref<1x256x128xf32, #tpu.memory_space<hbm>> -> memref<256x128xf32, #tpu.memory_space<hbm>>
    %dma_start3A_35 = arith.constant 0 : i32
    %dma_start3A_36 = tpu.memref_slice %arg2[%select_n3A, %dma_start3A_35, %mul3A_32] : memref<2x8192x2048xf32, #tpu.memory_space<hbm>> -> memref<1x256x128xf32, #tpu.memory_space<hbm>>
    %dma_start3A_37 = tpu.memref_squeeze %dma_start3A_36 : memref<1x256x128xf32, #tpu.memory_space<hbm>> -> memref<256x128xf32, #tpu.memory_space<hbm>>
    tpu.enqueue_dma source(%dma_start3A_37 : memref<256x128xf32, #tpu.memory_space<hbm>>) target(%arg4 : memref<256x128xf32, #tpu.memory_space<vmem>>) target_semaphore(%arg7 : memref<!tpu.dma_semaphore, #tpu.memory_space<semaphore_mem>>)
    %dma_start3A_38 = arith.constant 256 : i32
    %dma_start3A_39 = tpu.memref_slice %arg2[%select_n3A, %dma_start3A_38, %mul3A_32] : memref<2x8192x2048xf32, #tpu.memory_space<hbm>> -> memref<1x256x128xf32, #tpu.memory_space<hbm>>
    %dma_start3A_40 = tpu.memref_squeeze %dma_start3A_39 : memref<1x256x128xf32, #tpu.memory_space<hbm>> -> memref<256x128xf32, #tpu.memory_space<hbm>>
    %dma_start3A_41 = arith.constant 256 : i32
    %dma_start3A_42 = tpu.memref_slice %arg2[%select_n3A, %dma_start3A_41, %mul3A_32] : memref<2x8192x2048xf32, #tpu.memory_space<hbm>> -> memref<1x256x128xf32, #tpu.memory_space<hbm>>
    %dma_start3A_43 = tpu.memref_squeeze %dma_start3A_42 : memref<1x256x128xf32, #tpu.memory_space<hbm>> -> memref<256x128xf32, #tpu.memory_space<hbm>>
    tpu.enqueue_dma source(%dma_start3A_43 : memref<256x128xf32, #tpu.memory_space<hbm>>) target(%arg5 : memref<256x128xf32, #tpu.memory_space<vmem>>) target_semaphore(%arg8 : memref<!tpu.dma_semaphore, #tpu.memory_space<semaphore_mem>>)
    %broadcast_in_dim3A = arith.constant 0.000000e+00 : f32
    %broadcast_in_dim3A_44 = vector.broadcast %broadcast_in_dim3A : f32 to vector<16xf32>
    %scan3A = arith.constant 0 : i32
    %scan3A_45 = arith.constant 10 : i32
    %scan3A_46 = arith.addi %scan3A, %scan3A_45 : i32
    %scan3A_47 = arith.constant 1 : i32
    %scan3A_48:8 = scf.for %scan3A_103 = %scan3A to %scan3A_46 step %scan3A_47 iter_args(%scan3A_104 = %broadcast_in_dim3A_44, %scan3A_105 = %broadcast_in_dim3A_44, %scan3A_106 = %broadcast_in_dim3A_44, %scan3A_107 = %broadcast_in_dim3A_44, %scan3A_108 = %broadcast_in_dim3A_44, %scan3A_109 = %broadcast_in_dim3A_44, %scan3A_110 = %broadcast_in_dim3A_44, %scan3A_111 = %broadcast_in_dim3A_44) -> (vector<16xf32>, vector<16xf32>, vector<16xf32>, vector<16xf32>, vector<16xf32>, vector<16xf32>, vector<16xf32>, vector<16xf32>)  : i32 {
      %mul3A_112 = arith.constant 3 : i32
      %mul3A_113 = arith.muli %mul3A_112, %scan3A_103 : i32
      %add3A_114 = arith.constant 0 : i32
      %add3A_115 = arith.addi %mul3A_113, %add3A_114 : i32
      %ge3A = arith.constant 1 : i32
      %ge3A_116 = arith.cmpi sge, %add3A_115, %ge3A : i32
      %add3A_117 = arith.constant 2 : i32
      %add3A_118 = arith.addi %add3A_115, %add3A_117 : i32
      %lt3A_119 = arith.constant 32 : i32
      %lt3A_120 = arith.cmpi slt, %add3A_118, %lt3A_119 : i32
      %and3A_121 = arith.andi %ge3A_116, %lt3A_120 : i1
      %convert_element_type3A = arith.extui %and3A_121 : i1 to i32
      %cond3A = arith.constant 0 : i32
      %cond3A_122 = arith.cmpi ne, %convert_element_type3A, %cond3A : i32
      scf.if %cond3A_122 {
        %sub3A_226 = arith.constant 1 : i32
        %sub3A_227 = arith.subi %add3A_115, %sub3A_226 : i32
        %mul3A_228 = arith.constant 256 : i32
        %mul3A_229 = arith.muli %sub3A_227, %mul3A_228 : i32
        %dma_wait3A_230 = tpu.memref_slice %arg3[%select_n3A, %mul3A_229, %mul3A_32] : memref<2x8192x2048xf32, #tpu.memory_space<hbm>> -> memref<1x256x128xf32, #tpu.memory_space<hbm>>
        %dma_wait3A_231 = tpu.memref_squeeze %dma_wait3A_230 : memref<1x256x128xf32, #tpu.memory_space<hbm>> -> memref<256x128xf32, #tpu.memory_space<hbm>>
        %dma_wait3A_232 = tpu.memref_slice %arg3[%select_n3A, %mul3A_229, %mul3A_32] : memref<2x8192x2048xf32, #tpu.memory_space<hbm>> -> memref<1x256x128xf32, #tpu.memory_space<hbm>>
        %dma_wait3A_233 = tpu.memref_squeeze %dma_wait3A_232 : memref<1x256x128xf32, #tpu.memory_space<hbm>> -> memref<256x128xf32, #tpu.memory_space<hbm>>
        tpu.wait_dma2 semaphore(%arg12 : memref<!tpu.dma_semaphore, #tpu.memory_space<semaphore_mem>>) src(%arg6 : memref<256x128xf32, #tpu.memory_space<vmem>>) dst(%dma_wait3A_233 : memref<256x128xf32, #tpu.memory_space<hbm>>)
      } else {
      }
      %add3A_123 = arith.constant 2 : i32
      %add3A_124 = arith.addi %add3A_115, %add3A_123 : i32
      %lt3A_125 = arith.constant 32 : i32
      %lt3A_126 = arith.cmpi slt, %add3A_124, %lt3A_125 : i32
      %convert_element_type3A_127 = arith.extui %lt3A_126 : i1 to i32
      %cond3A_128 = arith.constant 0 : i32
      %cond3A_129 = arith.cmpi ne, %convert_element_type3A_127, %cond3A_128 : i32
      scf.if %cond3A_129 {
        %add3A_226 = arith.constant 2 : i32
        %add3A_227 = arith.addi %add3A_115, %add3A_226 : i32
        %mul3A_228 = arith.constant 256 : i32
        %mul3A_229 = arith.muli %add3A_227, %mul3A_228 : i32
        %dma_start3A_230 = tpu.memref_slice %arg2[%select_n3A, %mul3A_229, %mul3A_32] : memref<2x8192x2048xf32, #tpu.memory_space<hbm>> -> memref<1x256x128xf32, #tpu.memory_space<hbm>>
        %dma_start3A_231 = tpu.memref_squeeze %dma_start3A_230 : memref<1x256x128xf32, #tpu.memory_space<hbm>> -> memref<256x128xf32, #tpu.memory_space<hbm>>
        %dma_start3A_232 = tpu.memref_slice %arg2[%select_n3A, %mul3A_229, %mul3A_32] : memref<2x8192x2048xf32, #tpu.memory_space<hbm>> -> memref<1x256x128xf32, #tpu.memory_space<hbm>>
        %dma_start3A_233 = tpu.memref_squeeze %dma_start3A_232 : memref<1x256x128xf32, #tpu.memory_space<hbm>> -> memref<256x128xf32, #tpu.memory_space<hbm>>
        tpu.enqueue_dma source(%dma_start3A_233 : memref<256x128xf32, #tpu.memory_space<hbm>>) target(%arg6 : memref<256x128xf32, #tpu.memory_space<vmem>>) target_semaphore(%arg9 : memref<!tpu.dma_semaphore, #tpu.memory_space<semaphore_mem>>)
      } else {
      }
      %mul3A_130 = arith.constant 256 : i32
      %mul3A_131 = arith.muli %add3A_115, %mul3A_130 : i32
      %dma_wait3A_132 = tpu.memref_slice %arg2[%select_n3A, %mul3A_131, %mul3A_32] : memref<2x8192x2048xf32, #tpu.memory_space<hbm>> -> memref<1x256x128xf32, #tpu.memory_space<hbm>>
      %dma_wait3A_133 = tpu.memref_squeeze %dma_wait3A_132 : memref<1x256x128xf32, #tpu.memory_space<hbm>> -> memref<256x128xf32, #tpu.memory_space<hbm>>
      %dma_wait3A_134 = tpu.memref_slice %arg2[%select_n3A, %mul3A_131, %mul3A_32] : memref<2x8192x2048xf32, #tpu.memory_space<hbm>> -> memref<1x256x128xf32, #tpu.memory_space<hbm>>
      %dma_wait3A_135 = tpu.memref_squeeze %dma_wait3A_134 : memref<1x256x128xf32, #tpu.memory_space<hbm>> -> memref<256x128xf32, #tpu.memory_space<hbm>>
      tpu.wait_dma2 semaphore(%arg7 : memref<!tpu.dma_semaphore, #tpu.memory_space<semaphore_mem>>) src(%dma_wait3A_135 : memref<256x128xf32, #tpu.memory_space<hbm>>) dst(%arg4 : memref<256x128xf32, #tpu.memory_space<vmem>>)
      %scan3A_136 = arith.constant 0 : i32
      %scan3A_137 = arith.constant 256 : i32
      %scan3A_138 = arith.addi %scan3A_136, %scan3A_137 : i32
      %scan3A_139 = arith.constant 1 : i32
      %scan3A_140:8 = scf.for %scan3A_226 = %scan3A_136 to %scan3A_138 step %scan3A_139 iter_args(%scan3A_227 = %scan3A_104, %scan3A_228 = %scan3A_105, %scan3A_229 = %scan3A_106, %scan3A_230 = %scan3A_107, %scan3A_231 = %scan3A_108, %scan3A_232 = %scan3A_109, %scan3A_233 = %scan3A_110, %scan3A_234 = %scan3A_111) -> (vector<16xf32>, vector<16xf32>, vector<16xf32>, vector<16xf32>, vector<16xf32>, vector<16xf32>, vector<16xf32>, vector<16xf32>)  : i32 {
        %get3A = arith.index_cast %scan3A_226 : i32 to index
        %get3A_235 = arith.constant 0 : index
        %get3A_236 = tpu.vector_load %arg4[%get3A, %get3A_235] {strides = array<i32>} : memref<256x128xf32, #tpu.memory_space<vmem>>, vector<1x16xf32>,
        %get3A_237 = vector.shape_cast %get3A_236 : vector<1x16xf32> to vector<16xf32>
        %add3A_238 = arith.addf %scan3A_227, %get3A_237 : vector<16xf32>
        %swap3A = arith.index_cast %scan3A_226 : i32 to index
        %swap3A_239 = arith.constant 0 : index
        %swap3A_240 = tpu.vector_load %arg4[%swap3A, %swap3A_239] {strides = array<i32>} : memref<256x128xf32, #tpu.memory_space<vmem>>, vector<1x16xf32>,
        %swap3A_241 = vector.shape_cast %swap3A_240 : vector<1x16xf32> to vector<16xf32>
        %swap3A_242 = vector.shape_cast %add3A_238 : vector<16xf32> to vector<1x16xf32>
        tpu.vector_store %arg4[%swap3A, %swap3A_239], %swap3A_242 {strides = array<i32>} : memref<256x128xf32, #tpu.memory_space<vmem>>, vector<1x16xf32>,
        %get3A_243 = arith.index_cast %scan3A_226 : i32 to index
        %get3A_244 = arith.constant 16 : index
        %get3A_245 = tpu.vector_load %arg4[%get3A_243, %get3A_244] {strides = array<i32>} : memref<256x128xf32, #tpu.memory_space<vmem>>, vector<1x16xf32>,
        %get3A_246 = vector.shape_cast %get3A_245 : vector<1x16xf32> to vector<16xf32>
        %add3A_247 = arith.addf %scan3A_228, %get3A_246 : vector<16xf32>
        %swap3A_248 = arith.index_cast %scan3A_226 : i32 to index
        %swap3A_249 = arith.constant 16 : index
        %swap3A_250 = tpu.vector_load %arg4[%swap3A_248, %swap3A_249] {strides = array<i32>} : memref<256x128xf32, #tpu.memory_space<vmem>>, vector<1x16xf32>,
        %swap3A_251 = vector.shape_cast %swap3A_250 : vector<1x16xf32> to vector<16xf32>
        %swap3A_252 = vector.shape_cast %add3A_247 : vector<16xf32> to vector<1x16xf32>
        tpu.vector_store %arg4[%swap3A_248, %swap3A_249], %swap3A_252 {strides = array<i32>} : memref<256x128xf32, #tpu.memory_space<vmem>>, vector<1x16xf32>,
        %get3A_253 = arith.index_cast %scan3A_226 : i32 to index
        %get3A_254 = arith.constant 32 : index
        %get3A_255 = tpu.vector_load %arg4[%get3A_253, %get3A_254] {strides = array<i32>} : memref<256x128xf32, #tpu.memory_space<vmem>>, vector<1x16xf32>,
        %get3A_256 = vector.shape_cast %get3A_255 : vector<1x16xf32> to vector<16xf32>
        %add3A_257 = arith.addf %scan3A_229, %get3A_256 : vector<16xf32>
        %swap3A_258 = arith.index_cast %scan3A_226 : i32 to index
        %swap3A_259 = arith.constant 32 : index
        %swap3A_260 = tpu.vector_load %arg4[%swap3A_258, %swap3A_259] {strides = array<i32>} : memref<256x128xf32, #tpu.memory_space<vmem>>, vector<1x16xf32>,
        %swap3A_261 = vector.shape_cast %swap3A_260 : vector<1x16xf32> to vector<16xf32>
        %swap3A_262 = vector.shape_cast %add3A_257 : vector<16xf32> to vector<1x16xf32>
        tpu.vector_store %arg4[%swap3A_258, %swap3A_259], %swap3A_262 {strides = array<i32>} : memref<256x128xf32, #tpu.memory_space<vmem>>, vector<1x16xf32>,
        %get3A_263 = arith.index_cast %scan3A_226 : i32 to index
        %get3A_264 = arith.constant 48 : index
        %get3A_265 = tpu.vector_load %arg4[%get3A_263, %get3A_264] {strides = array<i32>} : memref<256x128xf32, #tpu.memory_space<vmem>>, vector<1x16xf32>,
        %get3A_266 = vector.shape_cast %get3A_265 : vector<1x16xf32> to vector<16xf32>
        %add3A_267 = arith.addf %scan3A_230, %get3A_266 : vector<16xf32>
        %swap3A_268 = arith.index_cast %scan3A_226 : i32 to index
        %swap3A_269 = arith.constant 48 : index
        %swap3A_270 = tpu.vector_load %arg4[%swap3A_268, %swap3A_269] {strides = array<i32>} : memref<256x128xf32, #tpu.memory_space<vmem>>, vector<1x16xf32>,
        %swap3A_271 = vector.shape_cast %swap3A_270 : vector<1x16xf32> to vector<16xf32>
        %swap3A_272 = vector.shape_cast %add3A_267 : vector<16xf32> to vector<1x16xf32>
        tpu.vector_store %arg4[%swap3A_268, %swap3A_269], %swap3A_272 {strides = array<i32>} : memref<256x128xf32, #tpu.memory_space<vmem>>, vector<1x16xf32>,
        %get3A_273 = arith.index_cast %scan3A_226 : i32 to index
        %get3A_274 = arith.constant 64 : index
        %get3A_275 = tpu.vector_load %arg4[%get3A_273, %get3A_274] {strides = array<i32>} : memref<256x128xf32, #tpu.memory_space<vmem>>, vector<1x16xf32>,
        %get3A_276 = vector.shape_cast %get3A_275 : vector<1x16xf32> to vector<16xf32>
        %add3A_277 = arith.addf %scan3A_231, %get3A_276 : vector<16xf32>
        %swap3A_278 = arith.index_cast %scan3A_226 : i32 to index
        %swap3A_279 = arith.constant 64 : index
        %swap3A_280 = tpu.vector_load %arg4[%swap3A_278, %swap3A_279] {strides = array<i32>} : memref<256x128xf32, #tpu.memory_space<vmem>>, vector<1x16xf32>,
        %swap3A_281 = vector.shape_cast %swap3A_280 : vector<1x16xf32> to vector<16xf32>
        %swap3A_282 = vector.shape_cast %add3A_277 : vector<16xf32> to vector<1x16xf32>
        tpu.vector_store %arg4[%swap3A_278, %swap3A_279], %swap3A_282 {strides = array<i32>} : memref<256x128xf32, #tpu.memory_space<vmem>>, vector<1x16xf32>,
        %get3A_283 = arith.index_cast %scan3A_226 : i32 to index
        %get3A_284 = arith.constant 80 : index
        %get3A_285 = tpu.vector_load %arg4[%get3A_283, %get3A_284] {strides = array<i32>} : memref<256x128xf32, #tpu.memory_space<vmem>>, vector<1x16xf32>,
        %get3A_286 = vector.shape_cast %get3A_285 : vector<1x16xf32> to vector<16xf32>
        %add3A_287 = arith.addf %scan3A_232, %get3A_286 : vector<16xf32>
        %swap3A_288 = arith.index_cast %scan3A_226 : i32 to index
        %swap3A_289 = arith.constant 80 : index
        %swap3A_290 = tpu.vector_load %arg4[%swap3A_288, %swap3A_289] {strides = array<i32>} : memref<256x128xf32, #tpu.memory_space<vmem>>, vector<1x16xf32>,
        %swap3A_291 = vector.shape_cast %swap3A_290 : vector<1x16xf32> to vector<16xf32>
        %swap3A_292 = vector.shape_cast %add3A_287 : vector<16xf32> to vector<1x16xf32>
        tpu.vector_store %arg4[%swap3A_288, %swap3A_289], %swap3A_292 {strides = array<i32>} : memref<256x128xf32, #tpu.memory_space<vmem>>, vector<1x16xf32>,
        %get3A_293 = arith.index_cast %scan3A_226 : i32 to index
        %get3A_294 = arith.constant 96 : index
        %get3A_295 = tpu.vector_load %arg4[%get3A_293, %get3A_294] {strides = array<i32>} : memref<256x128xf32, #tpu.memory_space<vmem>>, vector<1x16xf32>,
        %get3A_296 = vector.shape_cast %get3A_295 : vector<1x16xf32> to vector<16xf32>
        %add3A_297 = arith.addf %scan3A_233, %get3A_296 : vector<16xf32>
        %swap3A_298 = arith.index_cast %scan3A_226 : i32 to index
        %swap3A_299 = arith.constant 96 : index
        %swap3A_300 = tpu.vector_load %arg4[%swap3A_298, %swap3A_299] {strides = array<i32>} : memref<256x128xf32, #tpu.memory_space<vmem>>, vector<1x16xf32>,
        %swap3A_301 = vector.shape_cast %swap3A_300 : vector<1x16xf32> to vector<16xf32>
        %swap3A_302 = vector.shape_cast %add3A_297 : vector<16xf32> to vector<1x16xf32>
        tpu.vector_store %arg4[%swap3A_298, %swap3A_299], %swap3A_302 {strides = array<i32>} : memref<256x128xf32, #tpu.memory_space<vmem>>, vector<1x16xf32>,
        %get3A_303 = arith.index_cast %scan3A_226 : i32 to index
        %get3A_304 = arith.constant 112 : index
        %get3A_305 = tpu.vector_load %arg4[%get3A_303, %get3A_304] {strides = array<i32>} : memref<256x128xf32, #tpu.memory_space<vmem>>, vector<1x16xf32>,
        %get3A_306 = vector.shape_cast %get3A_305 : vector<1x16xf32> to vector<16xf32>
        %add3A_307 = arith.addf %scan3A_234, %get3A_306 : vector<16xf32>
        %swap3A_308 = arith.index_cast %scan3A_226 : i32 to index
        %swap3A_309 = arith.constant 112 : index
        %swap3A_310 = tpu.vector_load %arg4[%swap3A_308, %swap3A_309] {strides = array<i32>} : memref<256x128xf32, #tpu.memory_space<vmem>>, vector<1x16xf32>,
        %swap3A_311 = vector.shape_cast %swap3A_310 : vector<1x16xf32> to vector<16xf32>
        %swap3A_312 = vector.shape_cast %add3A_307 : vector<16xf32> to vector<1x16xf32>
        tpu.vector_store %arg4[%swap3A_308, %swap3A_309], %swap3A_312 {strides = array<i32>} : memref<256x128xf32, #tpu.memory_space<vmem>>, vector<1x16xf32>,
        scf.yield %add3A_238, %add3A_247, %add3A_257, %add3A_267, %add3A_277, %add3A_287, %add3A_297, %add3A_307 : vector<16xf32>, vector<16xf32>, vector<16xf32>, vector<16xf32>, vector<16xf32>, vector<16xf32>, vector<16xf32>, vector<16xf32>
      }
      %scan3A_141 = arith.constant 256 : i32
      %mul3A_142 = arith.constant 256 : i32
      %mul3A_143 = arith.muli %add3A_115, %mul3A_142 : i32
      %dma_start3A_144 = tpu.memref_slice %arg3[%select_n3A, %mul3A_143, %mul3A_32] : memref<2x8192x2048xf32, #tpu.memory_space<hbm>> -> memref<1x256x128xf32, #tpu.memory_space<hbm>>
      %dma_start3A_145 = tpu.memref_squeeze %dma_start3A_144 : memref<1x256x128xf32, #tpu.memory_space<hbm>> -> memref<256x128xf32, #tpu.memory_space<hbm>>
      %dma_start3A_146 = tpu.memref_slice %arg3[%select_n3A, %mul3A_143, %mul3A_32] : memref<2x8192x2048xf32, #tpu.memory_space<hbm>> -> memref<1x256x128xf32, #tpu.memory_space<hbm>>
      %dma_start3A_147 = tpu.memref_squeeze %dma_start3A_146 : memref<1x256x128xf32, #tpu.memory_space<hbm>> -> memref<256x128xf32, #tpu.memory_space<hbm>>
      tpu.enqueue_dma source(%arg4 : memref<256x128xf32, #tpu.memory_space<vmem>>) target(%dma_start3A_147 : memref<256x128xf32, #tpu.memory_space<hbm>>) target_semaphore(%arg10 : memref<!tpu.dma_semaphore, #tpu.memory_space<semaphore_mem>>)
      %mul3A_148 = arith.constant 3 : i32
      %mul3A_149 = arith.muli %mul3A_148, %scan3A_103 : i32
      %add3A_150 = arith.constant 1 : i32
      %add3A_151 = arith.addi %mul3A_149, %add3A_150 : i32
      %ge3A_152 = arith.constant 1 : i32
      %ge3A_153 = arith.cmpi sge, %add3A_151, %ge3A_152 : i32
      %add3A_154 = arith.constant 2 : i32
      %add3A_155 = arith.addi %add3A_151, %add3A_154 : i32
      %lt3A_156 = arith.constant 32 : i32
      %lt3A_157 = arith.cmpi slt, %add3A_155, %lt3A_156 : i32
      %and3A_158 = arith.andi %ge3A_153, %lt3A_157 : i1
      %convert_element_type3A_159 = arith.extui %and3A_158 : i1 to i32
      %cond3A_160 = arith.constant 0 : i32
      %cond3A_161 = arith.cmpi ne, %convert_element_type3A_159, %cond3A_160 : i32
      scf.if %cond3A_161 {
        %sub3A_226 = arith.constant 1 : i32
        %sub3A_227 = arith.subi %add3A_151, %sub3A_226 : i32
        %mul3A_228 = arith.constant 256 : i32
        %mul3A_229 = arith.muli %sub3A_227, %mul3A_228 : i32
        %dma_wait3A_230 = tpu.memref_slice %arg3[%select_n3A, %mul3A_229, %mul3A_32] : memref<2x8192x2048xf32, #tpu.memory_space<hbm>> -> memref<1x256x128xf32, #tpu.memory_space<hbm>>
        %dma_wait3A_231 = tpu.memref_squeeze %dma_wait3A_230 : memref<1x256x128xf32, #tpu.memory_space<hbm>> -> memref<256x128xf32, #tpu.memory_space<hbm>>
        %dma_wait3A_232 = tpu.memref_slice %arg3[%select_n3A, %mul3A_229, %mul3A_32] : memref<2x8192x2048xf32, #tpu.memory_space<hbm>> -> memref<1x256x128xf32, #tpu.memory_space<hbm>>
        %dma_wait3A_233 = tpu.memref_squeeze %dma_wait3A_232 : memref<1x256x128xf32, #tpu.memory_space<hbm>> -> memref<256x128xf32, #tpu.memory_space<hbm>>
        tpu.wait_dma2 semaphore(%arg10 : memref<!tpu.dma_semaphore, #tpu.memory_space<semaphore_mem>>) src(%arg4 : memref<256x128xf32, #tpu.memory_space<vmem>>) dst(%dma_wait3A_233 : memref<256x128xf32, #tpu.memory_space<hbm>>)
      } else {
      }
      %add3A_162 = arith.constant 2 : i32
      %add3A_163 = arith.addi %add3A_151, %add3A_162 : i32
      %lt3A_164 = arith.constant 32 : i32
      %lt3A_165 = arith.cmpi slt, %add3A_163, %lt3A_164 : i32
      %convert_element_type3A_166 = arith.extui %lt3A_165 : i1 to i32
      %cond3A_167 = arith.constant 0 : i32
      %cond3A_168 = arith.cmpi ne, %convert_element_type3A_166, %cond3A_167 : i32
      scf.if %cond3A_168 {
        %add3A_226 = arith.constant 2 : i32
        %add3A_227 = arith.addi %add3A_151, %add3A_226 : i32
        %mul3A_228 = arith.constant 256 : i32
        %mul3A_229 = arith.muli %add3A_227, %mul3A_228 : i32
        %dma_start3A_230 = tpu.memref_slice %arg2[%select_n3A, %mul3A_229, %mul3A_32] : memref<2x8192x2048xf32, #tpu.memory_space<hbm>> -> memref<1x256x128xf32, #tpu.memory_space<hbm>>
        %dma_start3A_231 = tpu.memref_squeeze %dma_start3A_230 : memref<1x256x128xf32, #tpu.memory_space<hbm>> -> memref<256x128xf32, #tpu.memory_space<hbm>>
        %dma_start3A_232 = tpu.memref_slice %arg2[%select_n3A, %mul3A_229, %mul3A_32] : memref<2x8192x2048xf32, #tpu.memory_space<hbm>> -> memref<1x256x128xf32, #tpu.memory_space<hbm>>
        %dma_start3A_233 = tpu.memref_squeeze %dma_start3A_232 : memref<1x256x128xf32, #tpu.memory_space<hbm>> -> memref<256x128xf32, #tpu.memory_space<hbm>>
        tpu.enqueue_dma source(%dma_start3A_233 : memref<256x128xf32, #tpu.memory_space<hbm>>) target(%arg4 : memref<256x128xf32, #tpu.memory_space<vmem>>) target_semaphore(%arg7 : memref<!tpu.dma_semaphore, #tpu.memory_space<semaphore_mem>>)
      } else {
      }
      %mul3A_169 = arith.constant 256 : i32
      %mul3A_170 = arith.muli %add3A_151, %mul3A_169 : i32
      %dma_wait3A_171 = tpu.memref_slice %arg2[%select_n3A, %mul3A_170, %mul3A_32] : memref<2x8192x2048xf32, #tpu.memory_space<hbm>> -> memref<1x256x128xf32, #tpu.memory_space<hbm>>
      %dma_wait3A_172 = tpu.memref_squeeze %dma_wait3A_171 : memref<1x256x128xf32, #tpu.memory_space<hbm>> -> memref<256x128xf32, #tpu.memory_space<hbm>>
      %dma_wait3A_173 = tpu.memref_slice %arg2[%select_n3A, %mul3A_170, %mul3A_32] : memref<2x8192x2048xf32, #tpu.memory_space<hbm>> -> memref<1x256x128xf32, #tpu.memory_space<hbm>>
      %dma_wait3A_174 = tpu.memref_squeeze %dma_wait3A_173 : memref<1x256x128xf32, #tpu.memory_space<hbm>> -> memref<256x128xf32, #tpu.memory_space<hbm>>
      tpu.wait_dma2 semaphore(%arg8 : memref<!tpu.dma_semaphore, #tpu.memory_space<semaphore_mem>>) src(%dma_wait3A_174 : memref<256x128xf32, #tpu.memory_space<hbm>>) dst(%arg5 : memref<256x128xf32, #tpu.memory_space<vmem>>)
      %scan3A_175 = arith.constant 0 : i32
      %scan3A_176 = arith.constant 256 : i32
      %scan3A_177 = arith.addi %scan3A_175, %scan3A_176 : i32
      %scan3A_178 = arith.constant 1 : i32
      %scan3A_179:8 = scf.for %scan3A_226 = %scan3A_175 to %scan3A_177 step %scan3A_178 iter_args(%scan3A_227 = %scan3A_140#0, %scan3A_228 = %scan3A_140#1, %scan3A_229 = %scan3A_140#2, %scan3A_230 = %scan3A_140#3, %scan3A_231 = %scan3A_140#4, %scan3A_232 = %scan3A_140#5, %scan3A_233 = %scan3A_140#6, %scan3A_234 = %scan3A_140#7) -> (vector<16xf32>, vector<16xf32>, vector<16xf32>, vector<16xf32>, vector<16xf32>, vector<16xf32>, vector<16xf32>, vector<16xf32>)  : i32 {
        %get3A = arith.index_cast %scan3A_226 : i32 to index
        %get3A_235 = arith.constant 0 : index
        %get3A_236 = tpu.vector_load %arg5[%get3A, %get3A_235] {strides = array<i32>} : memref<256x128xf32, #tpu.memory_space<vmem>>, vector<1x16xf32>,
        %get3A_237 = vector.shape_cast %get3A_236 : vector<1x16xf32> to vector<16xf32>
        %add3A_238 = arith.addf %scan3A_227, %get3A_237 : vector<16xf32>
        %swap3A = arith.index_cast %scan3A_226 : i32 to index
        %swap3A_239 = arith.constant 0 : index
        %swap3A_240 = tpu.vector_load %arg5[%swap3A, %swap3A_239] {strides = array<i32>} : memref<256x128xf32, #tpu.memory_space<vmem>>, vector<1x16xf32>,
        %swap3A_241 = vector.shape_cast %swap3A_240 : vector<1x16xf32> to vector<16xf32>
        %swap3A_242 = vector.shape_cast %add3A_238 : vector<16xf32> to vector<1x16xf32>
        tpu.vector_store %arg5[%swap3A, %swap3A_239], %swap3A_242 {strides = array<i32>} : memref<256x128xf32, #tpu.memory_space<vmem>>, vector<1x16xf32>,
        %get3A_243 = arith.index_cast %scan3A_226 : i32 to index
        %get3A_244 = arith.constant 16 : index
        %get3A_245 = tpu.vector_load %arg5[%get3A_243, %get3A_244] {strides = array<i32>} : memref<256x128xf32, #tpu.memory_space<vmem>>, vector<1x16xf32>,
        %get3A_246 = vector.shape_cast %get3A_245 : vector<1x16xf32> to vector<16xf32>
        %add3A_247 = arith.addf %scan3A_228, %get3A_246 : vector<16xf32>
        %swap3A_248 = arith.index_cast %scan3A_226 : i32 to index
        %swap3A_249 = arith.constant 16 : index
        %swap3A_250 = tpu.vector_load %arg5[%swap3A_248, %swap3A_249] {strides = array<i32>} : memref<256x128xf32, #tpu.memory_space<vmem>>, vector<1x16xf32>,
        %swap3A_251 = vector.shape_cast %swap3A_250 : vector<1x16xf32> to vector<16xf32>
        %swap3A_252 = vector.shape_cast %add3A_247 : vector<16xf32> to vector<1x16xf32>
        tpu.vector_store %arg5[%swap3A_248, %swap3A_249], %swap3A_252 {strides = array<i32>} : memref<256x128xf32, #tpu.memory_space<vmem>>, vector<1x16xf32>,
        %get3A_253 = arith.index_cast %scan3A_226 : i32 to index
        %get3A_254 = arith.constant 32 : index
        %get3A_255 = tpu.vector_load %arg5[%get3A_253, %get3A_254] {strides = array<i32>} : memref<256x128xf32, #tpu.memory_space<vmem>>, vector<1x16xf32>,
        %get3A_256 = vector.shape_cast %get3A_255 : vector<1x16xf32> to vector<16xf32>
        %add3A_257 = arith.addf %scan3A_229, %get3A_256 : vector<16xf32>
        %swap3A_258 = arith.index_cast %scan3A_226 : i32 to index
        %swap3A_259 = arith.constant 32 : index
        %swap3A_260 = tpu.vector_load %arg5[%swap3A_258, %swap3A_259] {strides = array<i32>} : memref<256x128xf32, #tpu.memory_space<vmem>>, vector<1x16xf32>,
        %swap3A_261 = vector.shape_cast %swap3A_260 : vector<1x16xf32> to vector<16xf32>
        %swap3A_262 = vector.shape_cast %add3A_257 : vector<16xf32> to vector<1x16xf32>
        tpu.vector_store %arg5[%swap3A_258, %swap3A_259], %swap3A_262 {strides = array<i32>} : memref<256x128xf32, #tpu.memory_space<vmem>>, vector<1x16xf32>,
        %get3A_263 = arith.index_cast %scan3A_226 : i32 to index
        %get3A_264 = arith.constant 48 : index
        %get3A_265 = tpu.vector_load %arg5[%get3A_263, %get3A_264] {strides = array<i32>} : memref<256x128xf32, #tpu.memory_space<vmem>>, vector<1x16xf32>,
        %get3A_266 = vector.shape_cast %get3A_265 : vector<1x16xf32> to vector<16xf32>
        %add3A_267 = arith.addf %scan3A_230, %get3A_266 : vector<16xf32>
        %swap3A_268 = arith.index_cast %scan3A_226 : i32 to index
        %swap3A_269 = arith.constant 48 : index
        %swap3A_270 = tpu.vector_load %arg5[%swap3A_268, %swap3A_269] {strides = array<i32>} : memref<256x128xf32, #tpu.memory_space<vmem>>, vector<1x16xf32>,
        %swap3A_271 = vector.shape_cast %swap3A_270 : vector<1x16xf32> to vector<16xf32>
        %swap3A_272 = vector.shape_cast %add3A_267 : vector<16xf32> to vector<1x16xf32>
        tpu.vector_store %arg5[%swap3A_268, %swap3A_269], %swap3A_272 {strides = array<i32>} : memref<256x128xf32, #tpu.memory_space<vmem>>, vector<1x16xf32>,
        %get3A_273 = arith.index_cast %scan3A_226 : i32 to index
        %get3A_274 = arith.constant 64 : index
        %get3A_275 = tpu.vector_load %arg5[%get3A_273, %get3A_274] {strides = array<i32>} : memref<256x128xf32, #tpu.memory_space<vmem>>, vector<1x16xf32>,
        %get3A_276 = vector.shape_cast %get3A_275 : vector<1x16xf32> to vector<16xf32>
        %add3A_277 = arith.addf %scan3A_231, %get3A_276 : vector<16xf32>
        %swap3A_278 = arith.index_cast %scan3A_226 : i32 to index
        %swap3A_279 = arith.constant 64 : index
        %swap3A_280 = tpu.vector_load %arg5[%swap3A_278, %swap3A_279] {strides = array<i32>} : memref<256x128xf32, #tpu.memory_space<vmem>>, vector<1x16xf32>,
        %swap3A_281 = vector.shape_cast %swap3A_280 : vector<1x16xf32> to vector<16xf32>
        %swap3A_282 = vector.shape_cast %add3A_277 : vector<16xf32> to vector<1x16xf32>
        tpu.vector_store %arg5[%swap3A_278, %swap3A_279], %swap3A_282 {strides = array<i32>} : memref<256x128xf32, #tpu.memory_space<vmem>>, vector<1x16xf32>,
        %get3A_283 = arith.index_cast %scan3A_226 : i32 to index
        %get3A_284 = arith.constant 80 : index
        %get3A_285 = tpu.vector_load %arg5[%get3A_283, %get3A_284] {strides = array<i32>} : memref<256x128xf32, #tpu.memory_space<vmem>>, vector<1x16xf32>,
        %get3A_286 = vector.shape_cast %get3A_285 : vector<1x16xf32> to vector<16xf32>
        %add3A_287 = arith.addf %scan3A_232, %get3A_286 : vector<16xf32>
        %swap3A_288 = arith.index_cast %scan3A_226 : i32 to index
        %swap3A_289 = arith.constant 80 : index
        %swap3A_290 = tpu.vector_load %arg5[%swap3A_288, %swap3A_289] {strides = array<i32>} : memref<256x128xf32, #tpu.memory_space<vmem>>, vector<1x16xf32>,
        %swap3A_291 = vector.shape_cast %swap3A_290 : vector<1x16xf32> to vector<16xf32>
        %swap3A_292 = vector.shape_cast %add3A_287 : vector<16xf32> to vector<1x16xf32>
        tpu.vector_store %arg5[%swap3A_288, %swap3A_289], %swap3A_292 {strides = array<i32>} : memref<256x128xf32, #tpu.memory_space<vmem>>, vector<1x16xf32>,
        %get3A_293 = arith.index_cast %scan3A_226 : i32 to index
        %get3A_294 = arith.constant 96 : index
        %get3A_295 = tpu.vector_load %arg5[%get3A_293, %get3A_294] {strides = array<i32>} : memref<256x128xf32, #tpu.memory_space<vmem>>, vector<1x16xf32>,
        %get3A_296 = vector.shape_cast %get3A_295 : vector<1x16xf32> to vector<16xf32>
        %add3A_297 = arith.addf %scan3A_233, %get3A_296 : vector<16xf32>
        %swap3A_298 = arith.index_cast %scan3A_226 : i32 to index
        %swap3A_299 = arith.constant 96 : index
        %swap3A_300 = tpu.vector_load %arg5[%swap3A_298, %swap3A_299] {strides = array<i32>} : memref<256x128xf32, #tpu.memory_space<vmem>>, vector<1x16xf32>,
        %swap3A_301 = vector.shape_cast %swap3A_300 : vector<1x16xf32> to vector<16xf32>
        %swap3A_302 = vector.shape_cast %add3A_297 : vector<16xf32> to vector<1x16xf32>
        tpu.vector_store %arg5[%swap3A_298, %swap3A_299], %swap3A_302 {strides = array<i32>} : memref<256x128xf32, #tpu.memory_space<vmem>>, vector<1x16xf32>,
        %get3A_303 = arith.index_cast %scan3A_226 : i32 to index
        %get3A_304 = arith.constant 112 : index
        %get3A_305 = tpu.vector_load %arg5[%get3A_303, %get3A_304] {strides = array<i32>} : memref<256x128xf32, #tpu.memory_space<vmem>>, vector<1x16xf32>,
        %get3A_306 = vector.shape_cast %get3A_305 : vector<1x16xf32> to vector<16xf32>
        %add3A_307 = arith.addf %scan3A_234, %get3A_306 : vector<16xf32>
        %swap3A_308 = arith.index_cast %scan3A_226 : i32 to index
        %swap3A_309 = arith.constant 112 : index
        %swap3A_310 = tpu.vector_load %arg5[%swap3A_308, %swap3A_309] {strides = array<i32>} : memref<256x128xf32, #tpu.memory_space<vmem>>, vector<1x16xf32>,
        %swap3A_311 = vector.shape_cast %swap3A_310 : vector<1x16xf32> to vector<16xf32>
        %swap3A_312 = vector.shape_cast %add3A_307 : vector<16xf32> to vector<1x16xf32>
        tpu.vector_store %arg5[%swap3A_308, %swap3A_309], %swap3A_312 {strides = array<i32>} : memref<256x128xf32, #tpu.memory_space<vmem>>, vector<1x16xf32>,
        scf.yield %add3A_238, %add3A_247, %add3A_257, %add3A_267, %add3A_277, %add3A_287, %add3A_297, %add3A_307 : vector<16xf32>, vector<16xf32>, vector<16xf32>, vector<16xf32>, vector<16xf32>, vector<16xf32>, vector<16xf32>, vector<16xf32>
      }
      %scan3A_180 = arith.constant 256 : i32
      %mul3A_181 = arith.constant 256 : i32
      %mul3A_182 = arith.muli %add3A_151, %mul3A_181 : i32
      %dma_start3A_183 = tpu.memref_slice %arg3[%select_n3A, %mul3A_182, %mul3A_32] : memref<2x8192x2048xf32, #tpu.memory_space<hbm>> -> memref<1x256x128xf32, #tpu.memory_space<hbm>>
      %dma_start3A_184 = tpu.memref_squeeze %dma_start3A_183 : memref<1x256x128xf32, #tpu.memory_space<hbm>> -> memref<256x128xf32, #tpu.memory_space<hbm>>
      %dma_start3A_185 = tpu.memref_slice %arg3[%select_n3A, %mul3A_182, %mul3A_32] : memref<2x8192x2048xf32, #tpu.memory_space<hbm>> -> memref<1x256x128xf32, #tpu.memory_space<hbm>>
      %dma_start3A_186 = tpu.memref_squeeze %dma_start3A_185 : memref<1x256x128xf32, #tpu.memory_space<hbm>> -> memref<256x128xf32, #tpu.memory_space<hbm>>
      tpu.enqueue_dma source(%arg5 : memref<256x128xf32, #tpu.memory_space<vmem>>) target(%dma_start3A_186 : memref<256x128xf32, #tpu.memory_space<hbm>>) target_semaphore(%arg11 : memref<!tpu.dma_semaphore, #tpu.memory_space<semaphore_mem>>)
      %mul3A_187 = arith.constant 3 : i32
      %mul3A_188 = arith.muli %mul3A_187, %scan3A_103 : i32
      %add3A_189 = arith.constant 2 : i32
      %add3A_190 = arith.addi %mul3A_188, %add3A_189 : i32
      %ge3A_191 = arith.constant 1 : i32
      %ge3A_192 = arith.cmpi sge, %add3A_190, %ge3A_191 : i32
      %add3A_193 = arith.constant 2 : i32
      %add3A_194 = arith.addi %add3A_190, %add3A_193 : i32
      %lt3A_195 = arith.constant 32 : i32
      %lt3A_196 = arith.cmpi slt, %add3A_194, %lt3A_195 : i32
      %and3A_197 = arith.andi %ge3A_192, %lt3A_196 : i1
      %convert_element_type3A_198 = arith.extui %and3A_197 : i1 to i32
      %cond3A_199 = arith.constant 0 : i32
      %cond3A_200 = arith.cmpi ne, %convert_element_type3A_198, %cond3A_199 : i32
      scf.if %cond3A_200 {
        %sub3A_226 = arith.constant 1 : i32
        %sub3A_227 = arith.subi %add3A_190, %sub3A_226 : i32
        %mul3A_228 = arith.constant 256 : i32
        %mul3A_229 = arith.muli %sub3A_227, %mul3A_228 : i32
        %dma_wait3A_230 = tpu.memref_slice %arg3[%select_n3A, %mul3A_229, %mul3A_32] : memref<2x8192x2048xf32, #tpu.memory_space<hbm>> -> memref<1x256x128xf32, #tpu.memory_space<hbm>>
        %dma_wait3A_231 = tpu.memref_squeeze %dma_wait3A_230 : memref<1x256x128xf32, #tpu.memory_space<hbm>> -> memref<256x128xf32, #tpu.memory_space<hbm>>
        %dma_wait3A_232 = tpu.memref_slice %arg3[%select_n3A, %mul3A_229, %mul3A_32] : memref<2x8192x2048xf32, #tpu.memory_space<hbm>> -> memref<1x256x128xf32, #tpu.memory_space<hbm>>
        %dma_wait3A_233 = tpu.memref_squeeze %dma_wait3A_232 : memref<1x256x128xf32, #tpu.memory_space<hbm>> -> memref<256x128xf32, #tpu.memory_space<hbm>>
        tpu.wait_dma2 semaphore(%arg11 : memref<!tpu.dma_semaphore, #tpu.memory_space<semaphore_mem>>) src(%arg5 : memref<256x128xf32, #tpu.memory_space<vmem>>) dst(%dma_wait3A_233 : memref<256x128xf32, #tpu.memory_space<hbm>>)
      } else {
      }
      %add3A_201 = arith.constant 2 : i32
      %add3A_202 = arith.addi %add3A_190, %add3A_201 : i32
      %lt3A_203 = arith.constant 32 : i32
      %lt3A_204 = arith.cmpi slt, %add3A_202, %lt3A_203 : i32
      %convert_element_type3A_205 = arith.extui %lt3A_204 : i1 to i32
      %cond3A_206 = arith.constant 0 : i32
      %cond3A_207 = arith.cmpi ne, %convert_element_type3A_205, %cond3A_206 : i32
      scf.if %cond3A_207 {
        %add3A_226 = arith.constant 2 : i32
        %add3A_227 = arith.addi %add3A_190, %add3A_226 : i32
        %mul3A_228 = arith.constant 256 : i32
        %mul3A_229 = arith.muli %add3A_227, %mul3A_228 : i32
        %dma_start3A_230 = tpu.memref_slice %arg2[%select_n3A, %mul3A_229, %mul3A_32] : memref<2x8192x2048xf32, #tpu.memory_space<hbm>> -> memref<1x256x128xf32, #tpu.memory_space<hbm>>
        %dma_start3A_231 = tpu.memref_squeeze %dma_start3A_230 : memref<1x256x128xf32, #tpu.memory_space<hbm>> -> memref<256x128xf32, #tpu.memory_space<hbm>>
        %dma_start3A_232 = tpu.memref_slice %arg2[%select_n3A, %mul3A_229, %mul3A_32] : memref<2x8192x2048xf32, #tpu.memory_space<hbm>> -> memref<1x256x128xf32, #tpu.memory_space<hbm>>
        %dma_start3A_233 = tpu.memref_squeeze %dma_start3A_232 : memref<1x256x128xf32, #tpu.memory_space<hbm>> -> memref<256x128xf32, #tpu.memory_space<hbm>>
        tpu.enqueue_dma source(%dma_start3A_233 : memref<256x128xf32, #tpu.memory_space<hbm>>) target(%arg5 : memref<256x128xf32, #tpu.memory_space<vmem>>) target_semaphore(%arg8 : memref<!tpu.dma_semaphore, #tpu.memory_space<semaphore_mem>>)
      } else {
      }
      %mul3A_208 = arith.constant 256 : i32
      %mul3A_209 = arith.muli %add3A_190, %mul3A_208 : i32
      %dma_wait3A_210 = tpu.memref_slice %arg2[%select_n3A, %mul3A_209, %mul3A_32] : memref<2x8192x2048xf32, #tpu.memory_space<hbm>> -> memref<1x256x128xf32, #tpu.memory_space<hbm>>
      %dma_wait3A_211 = tpu.memref_squeeze %dma_wait3A_210 : memref<1x256x128xf32, #tpu.memory_space<hbm>> -> memref<256x128xf32, #tpu.memory_space<hbm>>
      %dma_wait3A_212 = tpu.memref_slice %arg2[%select_n3A, %mul3A_209, %mul3A_32] : memref<2x8192x2048xf32, #tpu.memory_space<hbm>> -> memref<1x256x128xf32, #tpu.memory_space<hbm>>
      %dma_wait3A_213 = tpu.memref_squeeze %dma_wait3A_212 : memref<1x256x128xf32, #tpu.memory_space<hbm>> -> memref<256x128xf32, #tpu.memory_space<hbm>>
      tpu.wait_dma2 semaphore(%arg9 : memref<!tpu.dma_semaphore, #tpu.memory_space<semaphore_mem>>) src(%dma_wait3A_213 : memref<256x128xf32, #tpu.memory_space<hbm>>) dst(%arg6 : memref<256x128xf32, #tpu.memory_space<vmem>>)
      %scan3A_214 = arith.constant 0 : i32
      %scan3A_215 = arith.constant 256 : i32
      %scan3A_216 = arith.addi %scan3A_214, %scan3A_215 : i32
      %scan3A_217 = arith.constant 1 : i32
      %scan3A_218:8 = scf.for %scan3A_226 = %scan3A_214 to %scan3A_216 step %scan3A_217 iter_args(%scan3A_227 = %scan3A_179#0, %scan3A_228 = %scan3A_179#1, %scan3A_229 = %scan3A_179#2, %scan3A_230 = %scan3A_179#3, %scan3A_231 = %scan3A_179#4, %scan3A_232 = %scan3A_179#5, %scan3A_233 = %scan3A_179#6, %scan3A_234 = %scan3A_179#7) -> (vector<16xf32>, vector<16xf32>, vector<16xf32>, vector<16xf32>, vector<16xf32>, vector<16xf32>, vector<16xf32>, vector<16xf32>)  : i32 {
        %get3A = arith.index_cast %scan3A_226 : i32 to index
        %get3A_235 = arith.constant 0 : index
        %get3A_236 = tpu.vector_load %arg6[%get3A, %get3A_235] {strides = array<i32>} : memref<256x128xf32, #tpu.memory_space<vmem>>, vector<1x16xf32>,
        %get3A_237 = vector.shape_cast %get3A_236 : vector<1x16xf32> to vector<16xf32>
        %add3A_238 = arith.addf %scan3A_227, %get3A_237 : vector<16xf32>
        %swap3A = arith.index_cast %scan3A_226 : i32 to index
        %swap3A_239 = arith.constant 0 : index
        %swap3A_240 = tpu.vector_load %arg6[%swap3A, %swap3A_239] {strides = array<i32>} : memref<256x128xf32, #tpu.memory_space<vmem>>, vector<1x16xf32>,
        %swap3A_241 = vector.shape_cast %swap3A_240 : vector<1x16xf32> to vector<16xf32>
        %swap3A_242 = vector.shape_cast %add3A_238 : vector<16xf32> to vector<1x16xf32>
        tpu.vector_store %arg6[%swap3A, %swap3A_239], %swap3A_242 {strides = array<i32>} : memref<256x128xf32, #tpu.memory_space<vmem>>, vector<1x16xf32>,
        %get3A_243 = arith.index_cast %scan3A_226 : i32 to index
        %get3A_244 = arith.constant 16 : index
        %get3A_245 = tpu.vector_load %arg6[%get3A_243, %get3A_244] {strides = array<i32>} : memref<256x128xf32, #tpu.memory_space<vmem>>, vector<1x16xf32>,
        %get3A_246 = vector.shape_cast %get3A_245 : vector<1x16xf32> to vector<16xf32>
        %add3A_247 = arith.addf %scan3A_228, %get3A_246 : vector<16xf32>
        %swap3A_248 = arith.index_cast %scan3A_226 : i32 to index
        %swap3A_249 = arith.constant 16 : index
        %swap3A_250 = tpu.vector_load %arg6[%swap3A_248, %swap3A_249] {strides = array<i32>} : memref<256x128xf32, #tpu.memory_space<vmem>>, vector<1x16xf32>,
        %swap3A_251 = vector.shape_cast %swap3A_250 : vector<1x16xf32> to vector<16xf32>
        %swap3A_252 = vector.shape_cast %add3A_247 : vector<16xf32> to vector<1x16xf32>
        tpu.vector_store %arg6[%swap3A_248, %swap3A_249], %swap3A_252 {strides = array<i32>} : memref<256x128xf32, #tpu.memory_space<vmem>>, vector<1x16xf32>,
        %get3A_253 = arith.index_cast %scan3A_226 : i32 to index
        %get3A_254 = arith.constant 32 : index
        %get3A_255 = tpu.vector_load %arg6[%get3A_253, %get3A_254] {strides = array<i32>} : memref<256x128xf32, #tpu.memory_space<vmem>>, vector<1x16xf32>,
        %get3A_256 = vector.shape_cast %get3A_255 : vector<1x16xf32> to vector<16xf32>
        %add3A_257 = arith.addf %scan3A_229, %get3A_256 : vector<16xf32>
        %swap3A_258 = arith.index_cast %scan3A_226 : i32 to index
        %swap3A_259 = arith.constant 32 : index
        %swap3A_260 = tpu.vector_load %arg6[%swap3A_258, %swap3A_259] {strides = array<i32>} : memref<256x128xf32, #tpu.memory_space<vmem>>, vector<1x16xf32>,
        %swap3A_261 = vector.shape_cast %swap3A_260 : vector<1x16xf32> to vector<16xf32>
        %swap3A_262 = vector.shape_cast %add3A_257 : vector<16xf32> to vector<1x16xf32>
        tpu.vector_store %arg6[%swap3A_258, %swap3A_259], %swap3A_262 {strides = array<i32>} : memref<256x128xf32, #tpu.memory_space<vmem>>, vector<1x16xf32>,
        %get3A_263 = arith.index_cast %scan3A_226 : i32 to index
        %get3A_264 = arith.constant 48 : index
        %get3A_265 = tpu.vector_load %arg6[%get3A_263, %get3A_264] {strides = array<i32>} : memref<256x128xf32, #tpu.memory_space<vmem>>, vector<1x16xf32>,
        %get3A_266 = vector.shape_cast %get3A_265 : vector<1x16xf32> to vector<16xf32>
        %add3A_267 = arith.addf %scan3A_230, %get3A_266 : vector<16xf32>
        %swap3A_268 = arith.index_cast %scan3A_226 : i32 to index
        %swap3A_269 = arith.constant 48 : index
        %swap3A_270 = tpu.vector_load %arg6[%swap3A_268, %swap3A_269] {strides = array<i32>} : memref<256x128xf32, #tpu.memory_space<vmem>>, vector<1x16xf32>,
        %swap3A_271 = vector.shape_cast %swap3A_270 : vector<1x16xf32> to vector<16xf32>
        %swap3A_272 = vector.shape_cast %add3A_267 : vector<16xf32> to vector<1x16xf32>
        tpu.vector_store %arg6[%swap3A_268, %swap3A_269], %swap3A_272 {strides = array<i32>} : memref<256x128xf32, #tpu.memory_space<vmem>>, vector<1x16xf32>,
        %get3A_273 = arith.index_cast %scan3A_226 : i32 to index
        %get3A_274 = arith.constant 64 : index
        %get3A_275 = tpu.vector_load %arg6[%get3A_273, %get3A_274] {strides = array<i32>} : memref<256x128xf32, #tpu.memory_space<vmem>>, vector<1x16xf32>,
        %get3A_276 = vector.shape_cast %get3A_275 : vector<1x16xf32> to vector<16xf32>
        %add3A_277 = arith.addf %scan3A_231, %get3A_276 : vector<16xf32>
        %swap3A_278 = arith.index_cast %scan3A_226 : i32 to index
        %swap3A_279 = arith.constant 64 : index
        %swap3A_280 = tpu.vector_load %arg6[%swap3A_278, %swap3A_279] {strides = array<i32>} : memref<256x128xf32, #tpu.memory_space<vmem>>, vector<1x16xf32>,
        %swap3A_281 = vector.shape_cast %swap3A_280 : vector<1x16xf32> to vector<16xf32>
        %swap3A_282 = vector.shape_cast %add3A_277 : vector<16xf32> to vector<1x16xf32>
        tpu.vector_store %arg6[%swap3A_278, %swap3A_279], %swap3A_282 {strides = array<i32>} : memref<256x128xf32, #tpu.memory_space<vmem>>, vector<1x16xf32>,
        %get3A_283 = arith.index_cast %scan3A_226 : i32 to index
        %get3A_284 = arith.constant 80 : index
        %get3A_285 = tpu.vector_load %arg6[%get3A_283, %get3A_284] {strides = array<i32>} : memref<256x128xf32, #tpu.memory_space<vmem>>, vector<1x16xf32>,
        %get3A_286 = vector.shape_cast %get3A_285 : vector<1x16xf32> to vector<16xf32>
        %add3A_287 = arith.addf %scan3A_232, %get3A_286 : vector<16xf32>
        %swap3A_288 = arith.index_cast %scan3A_226 : i32 to index
        %swap3A_289 = arith.constant 80 : index
        %swap3A_290 = tpu.vector_load %arg6[%swap3A_288, %swap3A_289] {strides = array<i32>} : memref<256x128xf32, #tpu.memory_space<vmem>>, vector<1x16xf32>,
        %swap3A_291 = vector.shape_cast %swap3A_290 : vector<1x16xf32> to vector<16xf32>
        %swap3A_292 = vector.shape_cast %add3A_287 : vector<16xf32> to vector<1x16xf32>
        tpu.vector_store %arg6[%swap3A_288, %swap3A_289], %swap3A_292 {strides = array<i32>} : memref<256x128xf32, #tpu.memory_space<vmem>>, vector<1x16xf32>,
        %get3A_293 = arith.index_cast %scan3A_226 : i32 to index
        %get3A_294 = arith.constant 96 : index
        %get3A_295 = tpu.vector_load %arg6[%get3A_293, %get3A_294] {strides = array<i32>} : memref<256x128xf32, #tpu.memory_space<vmem>>, vector<1x16xf32>,
        %get3A_296 = vector.shape_cast %get3A_295 : vector<1x16xf32> to vector<16xf32>
        %add3A_297 = arith.addf %scan3A_233, %get3A_296 : vector<16xf32>
        %swap3A_298 = arith.index_cast %scan3A_226 : i32 to index
        %swap3A_299 = arith.constant 96 : index
        %swap3A_300 = tpu.vector_load %arg6[%swap3A_298, %swap3A_299] {strides = array<i32>} : memref<256x128xf32, #tpu.memory_space<vmem>>, vector<1x16xf32>,
        %swap3A_301 = vector.shape_cast %swap3A_300 : vector<1x16xf32> to vector<16xf32>
        %swap3A_302 = vector.shape_cast %add3A_297 : vector<16xf32> to vector<1x16xf32>
        tpu.vector_store %arg6[%swap3A_298, %swap3A_299], %swap3A_302 {strides = array<i32>} : memref<256x128xf32, #tpu.memory_space<vmem>>, vector<1x16xf32>,
        %get3A_303 = arith.index_cast %scan3A_226 : i32 to index
        %get3A_304 = arith.constant 112 : index
        %get3A_305 = tpu.vector_load %arg6[%get3A_303, %get3A_304] {strides = array<i32>} : memref<256x128xf32, #tpu.memory_space<vmem>>, vector<1x16xf32>,
        %get3A_306 = vector.shape_cast %get3A_305 : vector<1x16xf32> to vector<16xf32>
        %add3A_307 = arith.addf %scan3A_234, %get3A_306 : vector<16xf32>
        %swap3A_308 = arith.index_cast %scan3A_226 : i32 to index
        %swap3A_309 = arith.constant 112 : index
        %swap3A_310 = tpu.vector_load %arg6[%swap3A_308, %swap3A_309] {strides = array<i32>} : memref<256x128xf32, #tpu.memory_space<vmem>>, vector<1x16xf32>,
        %swap3A_311 = vector.shape_cast %swap3A_310 : vector<1x16xf32> to vector<16xf32>
        %swap3A_312 = vector.shape_cast %add3A_307 : vector<16xf32> to vector<1x16xf32>
        tpu.vector_store %arg6[%swap3A_308, %swap3A_309], %swap3A_312 {strides = array<i32>} : memref<256x128xf32, #tpu.memory_space<vmem>>, vector<1x16xf32>,
        scf.yield %add3A_238, %add3A_247, %add3A_257, %add3A_267, %add3A_277, %add3A_287, %add3A_297, %add3A_307 : vector<16xf32>, vector<16xf32>, vector<16xf32>, vector<16xf32>, vector<16xf32>, vector<16xf32>, vector<16xf32>, vector<16xf32>
      }
      %scan3A_219 = arith.constant 256 : i32
      %mul3A_220 = arith.constant 256 : i32
      %mul3A_221 = arith.muli %add3A_190, %mul3A_220 : i32
      %dma_start3A_222 = tpu.memref_slice %arg3[%select_n3A, %mul3A_221, %mul3A_32] : memref<2x8192x2048xf32, #tpu.memory_space<hbm>> -> memref<1x256x128xf32, #tpu.memory_space<hbm>>
      %dma_start3A_223 = tpu.memref_squeeze %dma_start3A_222 : memref<1x256x128xf32, #tpu.memory_space<hbm>> -> memref<256x128xf32, #tpu.memory_space<hbm>>
      %dma_start3A_224 = tpu.memref_slice %arg3[%select_n3A, %mul3A_221, %mul3A_32] : memref<2x8192x2048xf32, #tpu.memory_space<hbm>> -> memref<1x256x128xf32, #tpu.memory_space<hbm>>
      %dma_start3A_225 = tpu.memref_squeeze %dma_start3A_224 : memref<1x256x128xf32, #tpu.memory_space<hbm>> -> memref<256x128xf32, #tpu.memory_space<hbm>>
      tpu.enqueue_dma source(%arg6 : memref<256x128xf32, #tpu.memory_space<vmem>>) target(%dma_start3A_225 : memref<256x128xf32, #tpu.memory_space<hbm>>) target_semaphore(%arg12 : memref<!tpu.dma_semaphore, #tpu.memory_space<semaphore_mem>>)
      scf.yield %scan3A_218#0, %scan3A_218#1, %scan3A_218#2, %scan3A_218#3, %scan3A_218#4, %scan3A_218#5, %scan3A_218#6, %scan3A_218#7 : vector<16xf32>, vector<16xf32>, vector<16xf32>, vector<16xf32>, vector<16xf32>, vector<16xf32>, vector<16xf32>, vector<16xf32>
    }
    %scan3A_49 = arith.constant 10 : i32
    %dma_wait3A = arith.constant 7680 : i32
    %dma_wait3A_50 = tpu.memref_slice %arg2[%select_n3A, %dma_wait3A, %mul3A_32] : memref<2x8192x2048xf32, #tpu.memory_space<hbm>> -> memref<1x256x128xf32, #tpu.memory_space<hbm>>
    %dma_wait3A_51 = tpu.memref_squeeze %dma_wait3A_50 : memref<1x256x128xf32, #tpu.memory_space<hbm>> -> memref<256x128xf32, #tpu.memory_space<hbm>>
    %dma_wait3A_52 = arith.constant 7680 : i32
    %dma_wait3A_53 = tpu.memref_slice %arg2[%select_n3A, %dma_wait3A_52, %mul3A_32] : memref<2x8192x2048xf32, #tpu.memory_space<hbm>> -> memref<1x256x128xf32, #tpu.memory_space<hbm>>
    %dma_wait3A_54 = tpu.memref_squeeze %dma_wait3A_53 : memref<1x256x128xf32, #tpu.memory_space<hbm>> -> memref<256x128xf32, #tpu.memory_space<hbm>>
    tpu.wait_dma2 semaphore(%arg7 : memref<!tpu.dma_semaphore, #tpu.memory_space<semaphore_mem>>) src(%dma_wait3A_54 : memref<256x128xf32, #tpu.memory_space<hbm>>) dst(%arg4 : memref<256x128xf32, #tpu.memory_space<vmem>>)
    %scan3A_55 = arith.constant 0 : i32
    %scan3A_56 = arith.constant 256 : i32
    %scan3A_57 = arith.addi %scan3A_55, %scan3A_56 : i32
    %scan3A_58 = arith.constant 1 : i32
    %scan3A_59:8 = scf.for %scan3A_103 = %scan3A_55 to %scan3A_57 step %scan3A_58 iter_args(%scan3A_104 = %scan3A_48#0, %scan3A_105 = %scan3A_48#1, %scan3A_106 = %scan3A_48#2, %scan3A_107 = %scan3A_48#3, %scan3A_108 = %scan3A_48#4, %scan3A_109 = %scan3A_48#5, %scan3A_110 = %scan3A_48#6, %scan3A_111 = %scan3A_48#7) -> (vector<16xf32>, vector<16xf32>, vector<16xf32>, vector<16xf32>, vector<16xf32>, vector<16xf32>, vector<16xf32>, vector<16xf32>)  : i32 {
      %get3A = arith.index_cast %scan3A_103 : i32 to index
      %get3A_112 = arith.constant 0 : index
      %get3A_113 = tpu.vector_load %arg4[%get3A, %get3A_112] {strides = array<i32>} : memref<256x128xf32, #tpu.memory_space<vmem>>, vector<1x16xf32>,
      %get3A_114 = vector.shape_cast %get3A_113 : vector<1x16xf32> to vector<16xf32>
      %add3A_115 = arith.addf %scan3A_104, %get3A_114 : vector<16xf32>
      %swap3A = arith.index_cast %scan3A_103 : i32 to index
      %swap3A_116 = arith.constant 0 : index
      %swap3A_117 = tpu.vector_load %arg4[%swap3A, %swap3A_116] {strides = array<i32>} : memref<256x128xf32, #tpu.memory_space<vmem>>, vector<1x16xf32>,
      %swap3A_118 = vector.shape_cast %swap3A_117 : vector<1x16xf32> to vector<16xf32>
      %swap3A_119 = vector.shape_cast %add3A_115 : vector<16xf32> to vector<1x16xf32>
      tpu.vector_store %arg4[%swap3A, %swap3A_116], %swap3A_119 {strides = array<i32>} : memref<256x128xf32, #tpu.memory_space<vmem>>, vector<1x16xf32>,
      %get3A_120 = arith.index_cast %scan3A_103 : i32 to index
      %get3A_121 = arith.constant 16 : index
      %get3A_122 = tpu.vector_load %arg4[%get3A_120, %get3A_121] {strides = array<i32>} : memref<256x128xf32, #tpu.memory_space<vmem>>, vector<1x16xf32>,
      %get3A_123 = vector.shape_cast %get3A_122 : vector<1x16xf32> to vector<16xf32>
      %add3A_124 = arith.addf %scan3A_105, %get3A_123 : vector<16xf32>
      %swap3A_125 = arith.index_cast %scan3A_103 : i32 to index
      %swap3A_126 = arith.constant 16 : index
      %swap3A_127 = tpu.vector_load %arg4[%swap3A_125, %swap3A_126] {strides = array<i32>} : memref<256x128xf32, #tpu.memory_space<vmem>>, vector<1x16xf32>,
      %swap3A_128 = vector.shape_cast %swap3A_127 : vector<1x16xf32> to vector<16xf32>
      %swap3A_129 = vector.shape_cast %add3A_124 : vector<16xf32> to vector<1x16xf32>
      tpu.vector_store %arg4[%swap3A_125, %swap3A_126], %swap3A_129 {strides = array<i32>} : memref<256x128xf32, #tpu.memory_space<vmem>>, vector<1x16xf32>,
      %get3A_130 = arith.index_cast %scan3A_103 : i32 to index
      %get3A_131 = arith.constant 32 : index
      %get3A_132 = tpu.vector_load %arg4[%get3A_130, %get3A_131] {strides = array<i32>} : memref<256x128xf32, #tpu.memory_space<vmem>>, vector<1x16xf32>,
      %get3A_133 = vector.shape_cast %get3A_132 : vector<1x16xf32> to vector<16xf32>
      %add3A_134 = arith.addf %scan3A_106, %get3A_133 : vector<16xf32>
      %swap3A_135 = arith.index_cast %scan3A_103 : i32 to index
      %swap3A_136 = arith.constant 32 : index
      %swap3A_137 = tpu.vector_load %arg4[%swap3A_135, %swap3A_136] {strides = array<i32>} : memref<256x128xf32, #tpu.memory_space<vmem>>, vector<1x16xf32>,
      %swap3A_138 = vector.shape_cast %swap3A_137 : vector<1x16xf32> to vector<16xf32>
      %swap3A_139 = vector.shape_cast %add3A_134 : vector<16xf32> to vector<1x16xf32>
      tpu.vector_store %arg4[%swap3A_135, %swap3A_136], %swap3A_139 {strides = array<i32>} : memref<256x128xf32, #tpu.memory_space<vmem>>, vector<1x16xf32>,
      %get3A_140 = arith.index_cast %scan3A_103 : i32 to index
      %get3A_141 = arith.constant 48 : index
      %get3A_142 = tpu.vector_load %arg4[%get3A_140, %get3A_141] {strides = array<i32>} : memref<256x128xf32, #tpu.memory_space<vmem>>, vector<1x16xf32>,
      %get3A_143 = vector.shape_cast %get3A_142 : vector<1x16xf32> to vector<16xf32>
      %add3A_144 = arith.addf %scan3A_107, %get3A_143 : vector<16xf32>
      %swap3A_145 = arith.index_cast %scan3A_103 : i32 to index
      %swap3A_146 = arith.constant 48 : index
      %swap3A_147 = tpu.vector_load %arg4[%swap3A_145, %swap3A_146] {strides = array<i32>} : memref<256x128xf32, #tpu.memory_space<vmem>>, vector<1x16xf32>,
      %swap3A_148 = vector.shape_cast %swap3A_147 : vector<1x16xf32> to vector<16xf32>
      %swap3A_149 = vector.shape_cast %add3A_144 : vector<16xf32> to vector<1x16xf32>
      tpu.vector_store %arg4[%swap3A_145, %swap3A_146], %swap3A_149 {strides = array<i32>} : memref<256x128xf32, #tpu.memory_space<vmem>>, vector<1x16xf32>,
      %get3A_150 = arith.index_cast %scan3A_103 : i32 to index
      %get3A_151 = arith.constant 64 : index
      %get3A_152 = tpu.vector_load %arg4[%get3A_150, %get3A_151] {strides = array<i32>} : memref<256x128xf32, #tpu.memory_space<vmem>>, vector<1x16xf32>,
      %get3A_153 = vector.shape_cast %get3A_152 : vector<1x16xf32> to vector<16xf32>
      %add3A_154 = arith.addf %scan3A_108, %get3A_153 : vector<16xf32>
      %swap3A_155 = arith.index_cast %scan3A_103 : i32 to index
      %swap3A_156 = arith.constant 64 : index
      %swap3A_157 = tpu.vector_load %arg4[%swap3A_155, %swap3A_156] {strides = array<i32>} : memref<256x128xf32, #tpu.memory_space<vmem>>, vector<1x16xf32>,
      %swap3A_158 = vector.shape_cast %swap3A_157 : vector<1x16xf32> to vector<16xf32>
      %swap3A_159 = vector.shape_cast %add3A_154 : vector<16xf32> to vector<1x16xf32>
      tpu.vector_store %arg4[%swap3A_155, %swap3A_156], %swap3A_159 {strides = array<i32>} : memref<256x128xf32, #tpu.memory_space<vmem>>, vector<1x16xf32>,
      %get3A_160 = arith.index_cast %scan3A_103 : i32 to index
      %get3A_161 = arith.constant 80 : index
      %get3A_162 = tpu.vector_load %arg4[%get3A_160, %get3A_161] {strides = array<i32>} : memref<256x128xf32, #tpu.memory_space<vmem>>, vector<1x16xf32>,
      %get3A_163 = vector.shape_cast %get3A_162 : vector<1x16xf32> to vector<16xf32>
      %add3A_164 = arith.addf %scan3A_109, %get3A_163 : vector<16xf32>
      %swap3A_165 = arith.index_cast %scan3A_103 : i32 to index
      %swap3A_166 = arith.constant 80 : index
      %swap3A_167 = tpu.vector_load %arg4[%swap3A_165, %swap3A_166] {strides = array<i32>} : memref<256x128xf32, #tpu.memory_space<vmem>>, vector<1x16xf32>,
      %swap3A_168 = vector.shape_cast %swap3A_167 : vector<1x16xf32> to vector<16xf32>
      %swap3A_169 = vector.shape_cast %add3A_164 : vector<16xf32> to vector<1x16xf32>
      tpu.vector_store %arg4[%swap3A_165, %swap3A_166], %swap3A_169 {strides = array<i32>} : memref<256x128xf32, #tpu.memory_space<vmem>>, vector<1x16xf32>,
      %get3A_170 = arith.index_cast %scan3A_103 : i32 to index
      %get3A_171 = arith.constant 96 : index
      %get3A_172 = tpu.vector_load %arg4[%get3A_170, %get3A_171] {strides = array<i32>} : memref<256x128xf32, #tpu.memory_space<vmem>>, vector<1x16xf32>,
      %get3A_173 = vector.shape_cast %get3A_172 : vector<1x16xf32> to vector<16xf32>
      %add3A_174 = arith.addf %scan3A_110, %get3A_173 : vector<16xf32>
      %swap3A_175 = arith.index_cast %scan3A_103 : i32 to index
      %swap3A_176 = arith.constant 96 : index
      %swap3A_177 = tpu.vector_load %arg4[%swap3A_175, %swap3A_176] {strides = array<i32>} : memref<256x128xf32, #tpu.memory_space<vmem>>, vector<1x16xf32>,
      %swap3A_178 = vector.shape_cast %swap3A_177 : vector<1x16xf32> to vector<16xf32>
      %swap3A_179 = vector.shape_cast %add3A_174 : vector<16xf32> to vector<1x16xf32>
      tpu.vector_store %arg4[%swap3A_175, %swap3A_176], %swap3A_179 {strides = array<i32>} : memref<256x128xf32, #tpu.memory_space<vmem>>, vector<1x16xf32>,
      %get3A_180 = arith.index_cast %scan3A_103 : i32 to index
      %get3A_181 = arith.constant 112 : index
      %get3A_182 = tpu.vector_load %arg4[%get3A_180, %get3A_181] {strides = array<i32>} : memref<256x128xf32, #tpu.memory_space<vmem>>, vector<1x16xf32>,
      %get3A_183 = vector.shape_cast %get3A_182 : vector<1x16xf32> to vector<16xf32>
      %add3A_184 = arith.addf %scan3A_111, %get3A_183 : vector<16xf32>
      %swap3A_185 = arith.index_cast %scan3A_103 : i32 to index
      %swap3A_186 = arith.constant 112 : index
      %swap3A_187 = tpu.vector_load %arg4[%swap3A_185, %swap3A_186] {strides = array<i32>} : memref<256x128xf32, #tpu.memory_space<vmem>>, vector<1x16xf32>,
      %swap3A_188 = vector.shape_cast %swap3A_187 : vector<1x16xf32> to vector<16xf32>
      %swap3A_189 = vector.shape_cast %add3A_184 : vector<16xf32> to vector<1x16xf32>
      tpu.vector_store %arg4[%swap3A_185, %swap3A_186], %swap3A_189 {strides = array<i32>} : memref<256x128xf32, #tpu.memory_space<vmem>>, vector<1x16xf32>,
      scf.yield %add3A_115, %add3A_124, %add3A_134, %add3A_144, %add3A_154, %add3A_164, %add3A_174, %add3A_184 : vector<16xf32>, vector<16xf32>, vector<16xf32>, vector<16xf32>, vector<16xf32>, vector<16xf32>, vector<16xf32>, vector<16xf32>
    }
    %scan3A_60 = arith.constant 256 : i32
    %dma_start3A_61 = arith.constant 7680 : i32
    %dma_start3A_62 = tpu.memref_slice %arg3[%select_n3A, %dma_start3A_61, %mul3A_32] : memref<2x8192x2048xf32, #tpu.memory_space<hbm>> -> memref<1x256x128xf32, #tpu.memory_space<hbm>>
    %dma_start3A_63 = tpu.memref_squeeze %dma_start3A_62 : memref<1x256x128xf32, #tpu.memory_space<hbm>> -> memref<256x128xf32, #tpu.memory_space<hbm>>
    %dma_start3A_64 = arith.constant 7680 : i32
    %dma_start3A_65 = tpu.memref_slice %arg3[%select_n3A, %dma_start3A_64, %mul3A_32] : memref<2x8192x2048xf32, #tpu.memory_space<hbm>> -> memref<1x256x128xf32, #tpu.memory_space<hbm>>
    %dma_start3A_66 = tpu.memref_squeeze %dma_start3A_65 : memref<1x256x128xf32, #tpu.memory_space<hbm>> -> memref<256x128xf32, #tpu.memory_space<hbm>>
    tpu.enqueue_dma source(%arg4 : memref<256x128xf32, #tpu.memory_space<vmem>>) target(%dma_start3A_66 : memref<256x128xf32, #tpu.memory_space<hbm>>) target_semaphore(%arg10 : memref<!tpu.dma_semaphore, #tpu.memory_space<semaphore_mem>>)
    %dma_wait3A_67 = arith.constant 7936 : i32
    %dma_wait3A_68 = tpu.memref_slice %arg2[%select_n3A, %dma_wait3A_67, %mul3A_32] : memref<2x8192x2048xf32, #tpu.memory_space<hbm>> -> memref<1x256x128xf32, #tpu.memory_space<hbm>>
    %dma_wait3A_69 = tpu.memref_squeeze %dma_wait3A_68 : memref<1x256x128xf32, #tpu.memory_space<hbm>> -> memref<256x128xf32, #tpu.memory_space<hbm>>
    %dma_wait3A_70 = arith.constant 7936 : i32
    %dma_wait3A_71 = tpu.memref_slice %arg2[%select_n3A, %dma_wait3A_70, %mul3A_32] : memref<2x8192x2048xf32, #tpu.memory_space<hbm>> -> memref<1x256x128xf32, #tpu.memory_space<hbm>>
    %dma_wait3A_72 = tpu.memref_squeeze %dma_wait3A_71 : memref<1x256x128xf32, #tpu.memory_space<hbm>> -> memref<256x128xf32, #tpu.memory_space<hbm>>
    tpu.wait_dma2 semaphore(%arg8 : memref<!tpu.dma_semaphore, #tpu.memory_space<semaphore_mem>>) src(%dma_wait3A_72 : memref<256x128xf32, #tpu.memory_space<hbm>>) dst(%arg5 : memref<256x128xf32, #tpu.memory_space<vmem>>)
    %scan3A_73 = arith.constant 0 : i32
    %scan3A_74 = arith.constant 256 : i32
    %scan3A_75 = arith.addi %scan3A_73, %scan3A_74 : i32
    %scan3A_76 = arith.constant 1 : i32
    %scan3A_77:8 = scf.for %scan3A_103 = %scan3A_73 to %scan3A_75 step %scan3A_76 iter_args(%scan3A_104 = %scan3A_59#0, %scan3A_105 = %scan3A_59#1, %scan3A_106 = %scan3A_59#2, %scan3A_107 = %scan3A_59#3, %scan3A_108 = %scan3A_59#4, %scan3A_109 = %scan3A_59#5, %scan3A_110 = %scan3A_59#6, %scan3A_111 = %scan3A_59#7) -> (vector<16xf32>, vector<16xf32>, vector<16xf32>, vector<16xf32>, vector<16xf32>, vector<16xf32>, vector<16xf32>, vector<16xf32>)  : i32 {
      %get3A = arith.index_cast %scan3A_103 : i32 to index
      %get3A_112 = arith.constant 0 : index
      %get3A_113 = tpu.vector_load %arg5[%get3A, %get3A_112] {strides = array<i32>} : memref<256x128xf32, #tpu.memory_space<vmem>>, vector<1x16xf32>,
      %get3A_114 = vector.shape_cast %get3A_113 : vector<1x16xf32> to vector<16xf32>
      %add3A_115 = arith.addf %scan3A_104, %get3A_114 : vector<16xf32>
      %swap3A = arith.index_cast %scan3A_103 : i32 to index
      %swap3A_116 = arith.constant 0 : index
      %swap3A_117 = tpu.vector_load %arg5[%swap3A, %swap3A_116] {strides = array<i32>} : memref<256x128xf32, #tpu.memory_space<vmem>>, vector<1x16xf32>,
      %swap3A_118 = vector.shape_cast %swap3A_117 : vector<1x16xf32> to vector<16xf32>
      %swap3A_119 = vector.shape_cast %add3A_115 : vector<16xf32> to vector<1x16xf32>
      tpu.vector_store %arg5[%swap3A, %swap3A_116], %swap3A_119 {strides = array<i32>} : memref<256x128xf32, #tpu.memory_space<vmem>>, vector<1x16xf32>,
      %get3A_120 = arith.index_cast %scan3A_103 : i32 to index
      %get3A_121 = arith.constant 16 : index
      %get3A_122 = tpu.vector_load %arg5[%get3A_120, %get3A_121] {strides = array<i32>} : memref<256x128xf32, #tpu.memory_space<vmem>>, vector<1x16xf32>,
      %get3A_123 = vector.shape_cast %get3A_122 : vector<1x16xf32> to vector<16xf32>
      %add3A_124 = arith.addf %scan3A_105, %get3A_123 : vector<16xf32>
      %swap3A_125 = arith.index_cast %scan3A_103 : i32 to index
      %swap3A_126 = arith.constant 16 : index
      %swap3A_127 = tpu.vector_load %arg5[%swap3A_125, %swap3A_126] {strides = array<i32>} : memref<256x128xf32, #tpu.memory_space<vmem>>, vector<1x16xf32>,
      %swap3A_128 = vector.shape_cast %swap3A_127 : vector<1x16xf32> to vector<16xf32>
      %swap3A_129 = vector.shape_cast %add3A_124 : vector<16xf32> to vector<1x16xf32>
      tpu.vector_store %arg5[%swap3A_125, %swap3A_126], %swap3A_129 {strides = array<i32>} : memref<256x128xf32, #tpu.memory_space<vmem>>, vector<1x16xf32>,
      %get3A_130 = arith.index_cast %scan3A_103 : i32 to index
      %get3A_131 = arith.constant 32 : index
      %get3A_132 = tpu.vector_load %arg5[%get3A_130, %get3A_131] {strides = array<i32>} : memref<256x128xf32, #tpu.memory_space<vmem>>, vector<1x16xf32>,
      %get3A_133 = vector.shape_cast %get3A_132 : vector<1x16xf32> to vector<16xf32>
      %add3A_134 = arith.addf %scan3A_106, %get3A_133 : vector<16xf32>
      %swap3A_135 = arith.index_cast %scan3A_103 : i32 to index
      %swap3A_136 = arith.constant 32 : index
      %swap3A_137 = tpu.vector_load %arg5[%swap3A_135, %swap3A_136] {strides = array<i32>} : memref<256x128xf32, #tpu.memory_space<vmem>>, vector<1x16xf32>,
      %swap3A_138 = vector.shape_cast %swap3A_137 : vector<1x16xf32> to vector<16xf32>
      %swap3A_139 = vector.shape_cast %add3A_134 : vector<16xf32> to vector<1x16xf32>
      tpu.vector_store %arg5[%swap3A_135, %swap3A_136], %swap3A_139 {strides = array<i32>} : memref<256x128xf32, #tpu.memory_space<vmem>>, vector<1x16xf32>,
      %get3A_140 = arith.index_cast %scan3A_103 : i32 to index
      %get3A_141 = arith.constant 48 : index
      %get3A_142 = tpu.vector_load %arg5[%get3A_140, %get3A_141] {strides = array<i32>} : memref<256x128xf32, #tpu.memory_space<vmem>>, vector<1x16xf32>,
      %get3A_143 = vector.shape_cast %get3A_142 : vector<1x16xf32> to vector<16xf32>
      %add3A_144 = arith.addf %scan3A_107, %get3A_143 : vector<16xf32>
      %swap3A_145 = arith.index_cast %scan3A_103 : i32 to index
      %swap3A_146 = arith.constant 48 : index
      %swap3A_147 = tpu.vector_load %arg5[%swap3A_145, %swap3A_146] {strides = array<i32>} : memref<256x128xf32, #tpu.memory_space<vmem>>, vector<1x16xf32>,
      %swap3A_148 = vector.shape_cast %swap3A_147 : vector<1x16xf32> to vector<16xf32>
      %swap3A_149 = vector.shape_cast %add3A_144 : vector<16xf32> to vector<1x16xf32>
      tpu.vector_store %arg5[%swap3A_145, %swap3A_146], %swap3A_149 {strides = array<i32>} : memref<256x128xf32, #tpu.memory_space<vmem>>, vector<1x16xf32>,
      %get3A_150 = arith.index_cast %scan3A_103 : i32 to index
      %get3A_151 = arith.constant 64 : index
      %get3A_152 = tpu.vector_load %arg5[%get3A_150, %get3A_151] {strides = array<i32>} : memref<256x128xf32, #tpu.memory_space<vmem>>, vector<1x16xf32>,
      %get3A_153 = vector.shape_cast %get3A_152 : vector<1x16xf32> to vector<16xf32>
      %add3A_154 = arith.addf %scan3A_108, %get3A_153 : vector<16xf32>
      %swap3A_155 = arith.index_cast %scan3A_103 : i32 to index
      %swap3A_156 = arith.constant 64 : index
      %swap3A_157 = tpu.vector_load %arg5[%swap3A_155, %swap3A_156] {strides = array<i32>} : memref<256x128xf32, #tpu.memory_space<vmem>>, vector<1x16xf32>,
      %swap3A_158 = vector.shape_cast %swap3A_157 : vector<1x16xf32> to vector<16xf32>
      %swap3A_159 = vector.shape_cast %add3A_154 : vector<16xf32> to vector<1x16xf32>
      tpu.vector_store %arg5[%swap3A_155, %swap3A_156], %swap3A_159 {strides = array<i32>} : memref<256x128xf32, #tpu.memory_space<vmem>>, vector<1x16xf32>,
      %get3A_160 = arith.index_cast %scan3A_103 : i32 to index
      %get3A_161 = arith.constant 80 : index
      %get3A_162 = tpu.vector_load %arg5[%get3A_160, %get3A_161] {strides = array<i32>} : memref<256x128xf32, #tpu.memory_space<vmem>>, vector<1x16xf32>,
      %get3A_163 = vector.shape_cast %get3A_162 : vector<1x16xf32> to vector<16xf32>
      %add3A_164 = arith.addf %scan3A_109, %get3A_163 : vector<16xf32>
      %swap3A_165 = arith.index_cast %scan3A_103 : i32 to index
      %swap3A_166 = arith.constant 80 : index
      %swap3A_167 = tpu.vector_load %arg5[%swap3A_165, %swap3A_166] {strides = array<i32>} : memref<256x128xf32, #tpu.memory_space<vmem>>, vector<1x16xf32>,
      %swap3A_168 = vector.shape_cast %swap3A_167 : vector<1x16xf32> to vector<16xf32>
      %swap3A_169 = vector.shape_cast %add3A_164 : vector<16xf32> to vector<1x16xf32>
      tpu.vector_store %arg5[%swap3A_165, %swap3A_166], %swap3A_169 {strides = array<i32>} : memref<256x128xf32, #tpu.memory_space<vmem>>, vector<1x16xf32>,
      %get3A_170 = arith.index_cast %scan3A_103 : i32 to index
      %get3A_171 = arith.constant 96 : index
      %get3A_172 = tpu.vector_load %arg5[%get3A_170, %get3A_171] {strides = array<i32>} : memref<256x128xf32, #tpu.memory_space<vmem>>, vector<1x16xf32>,
      %get3A_173 = vector.shape_cast %get3A_172 : vector<1x16xf32> to vector<16xf32>
      %add3A_174 = arith.addf %scan3A_110, %get3A_173 : vector<16xf32>
      %swap3A_175 = arith.index_cast %scan3A_103 : i32 to index
      %swap3A_176 = arith.constant 96 : index
      %swap3A_177 = tpu.vector_load %arg5[%swap3A_175, %swap3A_176] {strides = array<i32>} : memref<256x128xf32, #tpu.memory_space<vmem>>, vector<1x16xf32>,
      %swap3A_178 = vector.shape_cast %swap3A_177 : vector<1x16xf32> to vector<16xf32>
      %swap3A_179 = vector.shape_cast %add3A_174 : vector<16xf32> to vector<1x16xf32>
      tpu.vector_store %arg5[%swap3A_175, %swap3A_176], %swap3A_179 {strides = array<i32>} : memref<256x128xf32, #tpu.memory_space<vmem>>, vector<1x16xf32>,
      %get3A_180 = arith.index_cast %scan3A_103 : i32 to index
      %get3A_181 = arith.constant 112 : index
      %get3A_182 = tpu.vector_load %arg5[%get3A_180, %get3A_181] {strides = array<i32>} : memref<256x128xf32, #tpu.memory_space<vmem>>, vector<1x16xf32>,
      %get3A_183 = vector.shape_cast %get3A_182 : vector<1x16xf32> to vector<16xf32>
      %add3A_184 = arith.addf %scan3A_111, %get3A_183 : vector<16xf32>
      %swap3A_185 = arith.index_cast %scan3A_103 : i32 to index
      %swap3A_186 = arith.constant 112 : index
      %swap3A_187 = tpu.vector_load %arg5[%swap3A_185, %swap3A_186] {strides = array<i32>} : memref<256x128xf32, #tpu.memory_space<vmem>>, vector<1x16xf32>,
      %swap3A_188 = vector.shape_cast %swap3A_187 : vector<1x16xf32> to vector<16xf32>
      %swap3A_189 = vector.shape_cast %add3A_184 : vector<16xf32> to vector<1x16xf32>
      tpu.vector_store %arg5[%swap3A_185, %swap3A_186], %swap3A_189 {strides = array<i32>} : memref<256x128xf32, #tpu.memory_space<vmem>>, vector<1x16xf32>,
      scf.yield %add3A_115, %add3A_124, %add3A_134, %add3A_144, %add3A_154, %add3A_164, %add3A_174, %add3A_184 : vector<16xf32>, vector<16xf32>, vector<16xf32>, vector<16xf32>, vector<16xf32>, vector<16xf32>, vector<16xf32>, vector<16xf32>
    }
    %scan3A_78 = arith.constant 256 : i32
    %dma_start3A_79 = arith.constant 7936 : i32
    %dma_start3A_80 = tpu.memref_slice %arg3[%select_n3A, %dma_start3A_79, %mul3A_32] : memref<2x8192x2048xf32, #tpu.memory_space<hbm>> -> memref<1x256x128xf32, #tpu.memory_space<hbm>>
    %dma_start3A_81 = tpu.memref_squeeze %dma_start3A_80 : memref<1x256x128xf32, #tpu.memory_space<hbm>> -> memref<256x128xf32, #tpu.memory_space<hbm>>
    %dma_start3A_82 = arith.constant 7936 : i32
    %dma_start3A_83 = tpu.memref_slice %arg3[%select_n3A, %dma_start3A_82, %mul3A_32] : memref<2x8192x2048xf32, #tpu.memory_space<hbm>> -> memref<1x256x128xf32, #tpu.memory_space<hbm>>
    %dma_start3A_84 = tpu.memref_squeeze %dma_start3A_83 : memref<1x256x128xf32, #tpu.memory_space<hbm>> -> memref<256x128xf32, #tpu.memory_space<hbm>>
    tpu.enqueue_dma source(%arg5 : memref<256x128xf32, #tpu.memory_space<vmem>>) target(%dma_start3A_84 : memref<256x128xf32, #tpu.memory_space<hbm>>) target_semaphore(%arg11 : memref<!tpu.dma_semaphore, #tpu.memory_space<semaphore_mem>>)
    %dma_wait3A_85 = arith.constant 7424 : i32
    %dma_wait3A_86 = tpu.memref_slice %arg3[%select_n3A, %dma_wait3A_85, %mul3A_32] : memref<2x8192x2048xf32, #tpu.memory_space<hbm>> -> memref<1x256x128xf32, #tpu.memory_space<hbm>>
    %dma_wait3A_87 = tpu.memref_squeeze %dma_wait3A_86 : memref<1x256x128xf32, #tpu.memory_space<hbm>> -> memref<256x128xf32, #tpu.memory_space<hbm>>
    %dma_wait3A_88 = arith.constant 7424 : i32
    %dma_wait3A_89 = tpu.memref_slice %arg3[%select_n3A, %dma_wait3A_88, %mul3A_32] : memref<2x8192x2048xf32, #tpu.memory_space<hbm>> -> memref<1x256x128xf32, #tpu.memory_space<hbm>>
    %dma_wait3A_90 = tpu.memref_squeeze %dma_wait3A_89 : memref<1x256x128xf32, #tpu.memory_space<hbm>> -> memref<256x128xf32, #tpu.memory_space<hbm>>
    tpu.wait_dma2 semaphore(%arg12 : memref<!tpu.dma_semaphore, #tpu.memory_space<semaphore_mem>>) src(%arg6 : memref<256x128xf32, #tpu.memory_space<vmem>>) dst(%dma_wait3A_90 : memref<256x128xf32, #tpu.memory_space<hbm>>)
    %dma_wait3A_91 = arith.constant 7680 : i32
    %dma_wait3A_92 = tpu.memref_slice %arg3[%select_n3A, %dma_wait3A_91, %mul3A_32] : memref<2x8192x2048xf32, #tpu.memory_space<hbm>> -> memref<1x256x128xf32, #tpu.memory_space<hbm>>
    %dma_wait3A_93 = tpu.memref_squeeze %dma_wait3A_92 : memref<1x256x128xf32, #tpu.memory_space<hbm>> -> memref<256x128xf32, #tpu.memory_space<hbm>>
    %dma_wait3A_94 = arith.constant 7680 : i32
    %dma_wait3A_95 = tpu.memref_slice %arg3[%select_n3A, %dma_wait3A_94, %mul3A_32] : memref<2x8192x2048xf32, #tpu.memory_space<hbm>> -> memref<1x256x128xf32, #tpu.memory_space<hbm>>
    %dma_wait3A_96 = tpu.memref_squeeze %dma_wait3A_95 : memref<1x256x128xf32, #tpu.memory_space<hbm>> -> memref<256x128xf32, #tpu.memory_space<hbm>>
    tpu.wait_dma2 semaphore(%arg10 : memref<!tpu.dma_semaphore, #tpu.memory_space<semaphore_mem>>) src(%arg4 : memref<256x128xf32, #tpu.memory_space<vmem>>) dst(%dma_wait3A_96 : memref<256x128xf32, #tpu.memory_space<hbm>>)
    %dma_wait3A_97 = arith.constant 7936 : i32
    %dma_wait3A_98 = tpu.memref_slice %arg3[%select_n3A, %dma_wait3A_97, %mul3A_32] : memref<2x8192x2048xf32, #tpu.memory_space<hbm>> -> memref<1x256x128xf32, #tpu.memory_space<hbm>>
    %dma_wait3A_99 = tpu.memref_squeeze %dma_wait3A_98 : memref<1x256x128xf32, #tpu.memory_space<hbm>> -> memref<256x128xf32, #tpu.memory_space<hbm>>
    %dma_wait3A_100 = arith.constant 7936 : i32
    %dma_wait3A_101 = tpu.memref_slice %arg3[%select_n3A, %dma_wait3A_100, %mul3A_32] : memref<2x8192x2048xf32, #tpu.memory_space<hbm>> -> memref<1x256x128xf32, #tpu.memory_space<hbm>>
    %dma_wait3A_102 = tpu.memref_squeeze %dma_wait3A_101 : memref<1x256x128xf32, #tpu.memory_space<hbm>> -> memref<256x128xf32, #tpu.memory_space<hbm>>
    tpu.wait_dma2 semaphore(%arg11 : memref<!tpu.dma_semaphore, #tpu.memory_space<semaphore_mem>>) src(%arg5 : memref<256x128xf32, #tpu.memory_space<vmem>>) dst(%dma_wait3A_102 : memref<256x128xf32, #tpu.memory_space<hbm>>)
    return
  }
}

</mosaic_0001>

<sc_bundles>
// kernel: kernel.3.cloned.1.call-start
scs
__scs_entry_jumppad:
0x0: {  	(pc) =	sbr.rel $0x88, $3  }
0x1: {  	(tag) =	ssettag $0x0;
	lr =	simm.s32 $0x1  }
0x2: {  	[smem:$0x3FA0] =	sst lr;
	_ =	strace $0xD0000000  }
0x3: {  	_ = 	snop  }
0x4: {  	_ = 	snop  }
0x5: {  	_ = 	snop  }
0x6: {  	_ = 	snop  }
0x7: {  	_ = 	snop  }
__scs_overlays_trampoline_lowered:
0x8: {  	[smem:$0x3FAF] =	sst s0  }
0x9: {  	[smem:$0x3FB0] =	sst s1  }
0xa: {  	[smem:$0x3FB1] =	sst s2  }
0xb: {  	[smem:$0x3FB2] =	sst s3  }
0xc: {  	[smem:$0x3FB3] =	sst s4  }
0xd: {  	[smem:$0x3FB4] =	sst s5  }
0xe: {  	[smem:$0x3FB5] =	sst s6  }
0xf: {  	[smem:$0x3FB6] =	sst s7  }
0x10: {  	[smem:$0x3FB7] =	sst s8  }
0x11: {  	[smem:$0x3FB8] =	sst s9;
	s0 =	simm.s32 @!p0 $0x0  }
0x12: {  	s1 =	sld [smem:$0x3F9E];
	s0 =	simm.s32 @p0 $0x1  }
0x13: {  	[smem:$0x3FB9] =	sst s0;
	s0 =	simm.s32 @!p1 $0x0  }
0x14: {  	s2 =	sld [smem:$0x3F9D];
	s0 =	simm.s32 @p1 $0x1  }
0x15: {  	[smem:$0x3FBA] =	sst s0;
	s0 =	simm.s32 @!p2 $0x0  }
0x16: {  	s3 =	sld [smem:$0x3FDB];
	s0 =	simm.s32 @p2 $0x1  }
0x17: {  	s4 =	simm.s32 $0x1BF5;
	[smem:$0x3FBC] =	sst s0  }
0x18: {  	s0 =	sld [smem:$0x3F9F];
	_ =	swait.ge [sflag:s4], $0x0  }
0x19: {  	s7 =	sld [smem:$0x3FA0]  }
0x1a: {  	s8 =	sadd.s32 $0xFFFFE003, lr  }
0x1b: {  	s9 =	sadd.s32 $0xFFFFFEF7, lr;
	s5 =	simm.s32 $0xFFFFFFFF;
	p2 =	slt.u32 s8, $0xFFFFF086  }
0x1c: {  	p1 =	slt.u32 s9, $0xF7A;
	s5 =	simm.s32 @!p2 $0x0  }
0x1d: {  	s5 =	simm.s32 @p1 $0x1;
	p0 =	seq.s32 s7, s2  }
0x1e: {  	s7 =	smul.u32 @!p0 $0xF7A, s2;
	p2 =	seq.s32 @!p0 s5, $0x0  }
0x1f: {  	s9 =	smul.u32 $0xF7A, s1;
	s8 =	simm.s32 @!p0 $0x1BF5;
	p2 =	por !p2, p0  }
0x20: {  	[sflag:s8] =	ssyncset.s32 @!p0 $0xFFFFF086;
	s6 =	sadd.s32 @!p0 s3, s7;
	s7 =	simm.s32 @!p0 $0x108  }
0x21: {  	s3 =	sadd.s32 s3, s9;
	s6 =	sadd.s32 @!p0 $0x88, s6;
	s7 =	simm.s32 @p2 $0x1082  }
0x22: {  	[simem:s7], [sflag:s8] =	dma.local @!p0 [hbm:s6], $0xF7A  }
0x23: {  	s9 =	sor.u32 $0xD0000000, s2;
	s6 =	simm.s32 $0x108;
	_ =	swait.ge @!p0 [sflag:s8], $0x0  }
0x24: {  	s3 =	sadd.s32 $0x88, s3;
	s6 =	simm.s32 @!p1 $0x1082;
	[sflag:s4] =	ssyncset.s32 $0xFFFFF086  }
0x25: {  	[simem:s6], [sflag:s4] =	dma.local [hbm:s3], $0xF7A  }
0x26: {  	[smem:$0x3FA0] =	sst s1;
	(tag) =	ssettag s2;
	_ =	strace s9  }
0x27: {  	s1 =	sld [smem:$0x3FB0]  }
0x28: {  	s2 =	sld [smem:$0x3FB1]  }
0x29: {  	s4 =	sld [smem:$0x3FB3]  }
0x2a: {  	p0 =	seq.s32 s5, $0x0;
	s5 =	sld [smem:$0x3FB4]  }
0x2b: {  	s6 =	sld [smem:$0x3FB5]  }
0x2c: {  	s7 =	sld [smem:$0x3FB6]  }
0x2d: {  	s3 =	simm.s32 $0x108;
	s8 =	sld [smem:$0x3FB7]  }
0x2e: {  	s3 =	simm.s32 @!p0 $0x1082;
	s9 =	sld [smem:$0x3FB8]  }
0x2f: {  	lr =	sadd.s32 s0, s3;
	s0 =	sld [smem:$0x3FAF]  }
0x30: {  	s3 =	sld [smem:$0x3FB2]  }
0x31: {  	[smem:$0x3FBB] =	sst s10  }
0x32: {  	s10 =	sld [smem:$0x3FB9];
	_ =	sdelay $0x3  }
0x33: {  	p0 =	seq.s32 s10, $0x1;
	s10 =	sld [smem:$0x3FBB];
	_ =	sdelay $0x3  }
0x34: {  	[smem:$0x3FBB] =	sst s10  }
0x35: {  	s10 =	sld [smem:$0x3FBA];
	_ =	sdelay $0x3  }
0x36: {  	p1 =	seq.s32 s10, $0x1;
	s10 =	sld [smem:$0x3FBB];
	_ =	sdelay $0x3  }
0x37: {  	[smem:$0x3FBB] =	sst s10  }
0x38: {  	s10 =	sld [smem:$0x3FBC]  }
0x39: {  	_ = 	snop;
	(pc) =	sbr.ind lr, $3  }
0x3a: {  	_ = 	snop  }
0x3b: {  	_ = 	snop  }
0x3c: {  	p2 =	seq.s32 s10, $0x1;
	s10 =	sld [smem:$0x3FBB]  }
0x3d: {  	_ =	shalt  }
0x3e: {  	_ =	shalt  }
0x3f: {  	_ =	shalt  }
0x40: {  	_ =	shalt  }
0x41: {  	_ =	shalt  }
0x42: {  	_ =	shalt  }
0x43: {  	_ =	shalt  }
0x44: {  	_ =	shalt  }
0x45: {  	_ =	shalt  }
0x46: {  	_ =	shalt  }
0x47: {  	_ =	shalt  }
0x48: {  	_ =	shalt  }
0x49: {  	_ =	shalt  }
0x4a: {  	_ =	shalt  }
0x4b: {  	_ =	shalt  }
0x4c: {  	_ =	shalt  }
0x4d: {  	_ =	shalt  }
0x4e: {  	_ =	shalt  }
0x4f: {  	_ =	shalt  }
0x50: {  	_ =	shalt  }
0x51: {  	_ =	shalt  }
0x52: {  	_ =	shalt  }
0x53: {  	_ =	shalt  }
0x54: {  	_ =	shalt  }
0x55: {  	_ =	shalt  }
0x56: {  	_ =	shalt  }
0x57: {  	_ =	shalt  }
0x58: {  	_ =	shalt  }
0x59: {  	_ =	shalt  }
0x5a: {  	_ =	shalt  }
0x5b: {  	_ =	shalt  }
0x5c: {  	_ =	shalt  }
0x5d: {  	_ =	shalt  }
0x5e: {  	_ =	shalt  }
0x5f: {  	_ =	shalt  }
0x60: {  	_ =	shalt  }
0x61: {  	_ =	shalt  }
0x62: {  	_ =	shalt  }
0x63: {  	_ =	shalt  }
0x64: {  	_ =	shalt  }
0x65: {  	_ =	shalt  }
0x66: {  	_ =	shalt  }
0x67: {  	_ =	shalt  }
0x68: {  	_ =	shalt  }
0x69: {  	_ =	shalt  }
0x6a: {  	_ =	shalt  }
0x6b: {  	_ =	shalt  }
0x6c: {  	_ =	shalt  }
0x6d: {  	_ =	shalt  }
0x6e: {  	_ =	shalt  }
0x6f: {  	_ =	shalt  }
0x70: {  	_ =	shalt  }
0x71: {  	_ =	shalt  }
0x72: {  	_ =	shalt  }
0x73: {  	_ =	shalt  }
0x74: {  	_ =	shalt  }
0x75: {  	_ =	shalt  }
0x76: {  	_ =	shalt  }
0x77: {  	_ =	shalt  }
0x78: {  	_ =	shalt  }
0x79: {  	_ =	shalt  }
0x7a: {  	_ =	shalt  }
0x7b: {  	_ =	shalt  }
0x7c: {  	_ =	shalt  }
0x7d: {  	_ =	shalt  }
0x7e: {  	_ =	shalt  }
0x7f: {  	_ =	shalt  }
0x80: {  	_ =	shalt  }
0x81: {  	_ =	shalt  }
0x82: {  	_ =	shalt  }
0x83: {  	_ =	shalt  }
0x84: {  	_ =	shalt  }
0x85: {  	_ =	shalt  }
0x86: {  	_ =	shalt  }
0x87: {  	_ =	shalt  }
.Lfunc_end0:
.L_simem_size_0:
called_computation_lowered:
.L_overlay_start_0:
0x88: {  	s2 =	sld [smem:$0x3FD9]  }
0x89: {  	s3 =	sld [smem:$0x3FFE];
	_ =	sdelay $0x1  }
0x8a: {  	s1 =	srdreg.scid  }
0x8b: {  	s0 =	sand.u32 $0x1, s1  }
0x8c: {  	s18 =	sshll.u32 s0, $0xA;
	s2 =	sadd.s32 s3, s2  }
0x8d: {  	s2 =	sadd.s32 s2, s18  }
0x8e: {  	[smem:$0x3FC7] =	sst s2  }
0x8f: {  	_ = 	snop  }
0x90: {  	s2 =	sld [smem:$0x3FC9]  }
0x91: {  	s19 =	sld [smem:$0x3FD0];
	(tm) =	ssettm $0x1  }
0x92: {  	s4 =	sld [smem:$0x3FFB];
	_ =	sdelay $0x3  }
0x93: {  	_ =	strace s4  }
0x94: {  	s4 =	sld [smem:$0x3FFC];
	_ =	sdelay $0x3  }
0x95: {  	_ =	strace s4  }
0x96: {  	s4 =	sld [smem:$0x3FFD];
	_ =	sdelay $0x3  }
0x97: {  	_ =	strace s4  }
0x98: {  	_ =	strace $0x8FFFFFFF  }
0x99: {  	s20 =	sld [smem:$0x3FDB];
	_ =	sdelay $0x1  }
0x9a: {  	s5 =	simm.s32 $_scs_section_size  }
0x9b: {  	s6 =	simm.s32 $_size__tile_overlayer_lowered;
	s7 =	simm.s32 $_tile_overlayer_lowered  }
0x9c: {  	s23 =	simm.s32 $0x1BFF;
	s22 =	sshll.u32 s7, $0x1;
	s4 =	sadd.s32 s5, s20  }
0x9d: {  	s8 =	simm.s32 $0x0;
	s21 =	sshll.u32 s6, $0x1;
	s6 =	sadd.s32 s22, s4  }
0x9e: {  	[timem:s8], [sflag:s23] =	dma.local [hbm:s6], s21  }
0x9f: {  	_ =	swait.ge [sflag:s23], s21  }
0xa0: {  	s5 =	ssub.s32 $0x0, s21;
	[sflag:s23] =	ssyncset.done $0x0  }
0xa1: {  	[sflag:s23] =	ssyncadd.s32 s5;
	_ =	sdelay $0x1  }
0xa2: {  	s24 =	simm.s32 $0x1B8B  }
0xa3: {  	_ =	swait.ge [sflag:s24], $0x1  }
0xa4: {  	[sflag:s24] =	ssyncset.done $0x0  }
0xa5: {  	s25 =	simm.s32 $0x1B8E;
	[sflag:s24] =	ssyncadd.s32 $0xFFFFFFFF  }
0xa6: {  	s26 =	simm.s32 $execute0_lowered;
	[smem:$0x3FD2] =	sst s25  }
0xa7: {  	s5 =	sshll.u32 s26, $0x1;
	_ =	strace $0x80000046;
	[dreg:$0x1] =	wrdreg $0xFFFFFFFF  }
0xa8: {  	s28 =	simm.s32 $_size_execute0_lowered;
	s4 =	sadd.s32 s4, s5;
	[dreg:$0x0] =	wrdreg $0x0  }
0xa9: {  	s5 =	sshll.u32 s28, $0x1;
	[dreg:$0x2] =	wrdreg s4  }
0xaa: {  	[dreg:$0x3] =	wrdreg s5  }
0xab: {  	[dreg:$0x4] =	wrdreg $0xC0  }
0xac: {  	_ =	task [dreg:s8], $0x5FFFF  }
0xad: {  	[dreg:$0x1] =	wrdreg $0xFFFFFFFF  }
0xae: {  	[dreg:$0x0] =	wrdreg $0x60  }
0xaf: {  	[dreg:$0x2] =	wrdreg s2  }
0xb0: {  	[dreg:$0x3] =	wrdreg s19  }
0xb1: {  	[dreg:$0x4] =	wrdreg $0x9  }
0xb2: {  	_ =	task.clear_ibuf [dreg:s8], $0x5FFFF;
	_ =	strace $0x90000046  }
0xb3: {  	s29 =	simm.s32 $0x9;
	_ =	strace $0x80000048  }
0xb4: {  	_ =	swait.ge [sflag:s29], $0x1  }
0xb5: {  	[sflag:s29] =	ssyncadd.s32 $0xFFFFFFFF  }
0xb6: {  	_ =	strace $0x90000048  }
0xb7: {  	_ =	sfence  }
0xb8: {  	s30 =	sld [smem:$0x0];
	_ =	sdelay $0x2  }
0xb9: {  	s31 =	sshll.u32 s1, $0xD;
	s1 =	sshrl.u32 s1, $0x2  }
0xba: {  	s3 =	sand.u32 $0x4000, s31;
	s1 =	sadd.s32 s1, s30  }
0xbb: {  	s0 =	sor.u32 s3, s0;
	s1 =	sshll.u32 s1, $0x11  }
0xbc: {  	s0 =	sor.u32 s1, s0  }
0xbd: {  	s0 =	sadd.s32 $0x8F2B, s0  }
0xbe: {  	[sflag:s0] =	ssyncadd.remote.s32 $0x1  }
0xbf: {  	_ =	sfence.sel $0xFFFF  }
0xc0: {  	[dreg:$0x0] =	wrdreg $0xFFFFFFFF;
	(pc) =	sbr.abs _section_cstart, $3  }
0xc1: {  	[dreg:$0x1] =	wrdreg $0xFFFFFFFF  }
0xc2: {  	_ =	task.clear_ibuf [dreg:s8], $0x2FFFF;
	_ =	strace $0x9FFFFFFF  }
0xc3: {  	(tm) =	ssettm $0x7FFFFFFF  }
tec
execute0_lowered:
.L_overlay_start_1:
0x0: {  	(tag) =	ssettag $0x1  }
0x1: {  	s0 =	stileid.u32  }
0x2: {  	s1 =	srdreg.scid;
	s3 =	rddreg [dreg:$0x1];
	s15 =	simm.s32 $0x400  }
0x3: {  	s16 =	simm.s32 $0x4000;
	s17 =	simm.s32 $0x8000;
	s18 =	simm.s32 $0x10000  }
0x4: {  	s19 =	simm.s32 $0x1;
	s20 =	simm.s32 $0x4;
	s21 =	simm.s32 $0x2  }
0x5: {  	s22 =	simm.s32 $0x5;
	s23 =	simm.s32 $0x3;
	s24 =	simm.s32 $0x6  }
0x6: {  	s25 =	simm.s32 $0x0;
	s2 =	sshll.u32 s0, $0x1;
	s6 =	sand.u32 $0x1, s1  }
0x7: {  	s4 =	sshll.u32 s0, $0x15;
	s30 =	sand.u32 $0xE, s2;
	s2 =	rddreg [dreg:$0x0]  }
0x8: {  	s5 =	sand.u32 $0x1000000, s4;
	s31 =	ssub.s32 $0x2, s6;
	s1 =	sor.u32 s6, s30  }
0x9: {  	s4 =	simm.s32 $0x0;
	s8 =	sshrl.u32 s31, $0x1;
	s7 =	sshll.u32 s1, $0xA  }
0xa: {  	[smem:$0x7FF] =	sst s4;
	s14 =	ssub.s32 s31, s8;
	s5 =	sor.u32 s5, s7  }
0xb: {  	_ =	strace $0x80000047;
	s14 =	smax.u32 s14, $0x1;
	s11 =	sshrl.u32 s5, $0x3  }
0xc: {  	s8 =	sor.u32 $0x100000, s5;
	s9 =	sor.u32 $0x180000, s5;
	s10 =	sor.u32 $0x80000, s5  }
0xd: {  	s6 =	sadd.s32 s2, s11;
	s13 =	sadd.s32 s11, s3;
	s11 =	sor.u32 $0x200000, s5  }
0xe: {  	s7 =	sadd.s32 $0x10000, s6;
	s12 =	sadd.s32 $0x1E0000, s13;
	s13 =	sadd.s32 $0x1F0000, s13  }
.LBB2_1:
0xf: {  	[tilespmem:s4], [sflag:$0x1] =	stream.strided.gather [hbm4b:s6+s15], $0x8000, s16, s15, $0x38;
	v0 =	vimm.f32 $0.0e+00;
	v1 =	vimm.f32 $0.0e+00;
	[tilespmem:$0x18000] =	vst v63  }
0x10: {  	v2 =	vimm.f32 $0.0e+00;
	v3 =	vimm.f32 $0.0e+00;
	v4 =	vimm.f32 $0.0e+00;
	s26 =	simm.s32 $0x0  }
0x11: {  	v5 =	vimm.f32 $0.0e+00;
	v6 =	vimm.f32 $0.0e+00;
	v7 =	vimm.f32 $0.0e+00;
	[tilespmem:s17], [sflag:$0x2] =	stream.strided.gather [hbm4b:s7+s15], $0x8000, s16, s15, $0x38;
	[tilespmem:$0x18000] =	vst v63  }
.LBB2_2:
0x12: {  	p0 =	seq.s32 s26, $0x0;
	s29 =	smul.u32 $0x180000, s26  }
0x13: {  	s30 =	simm.s32 @!p0 $0x6  }
0x14: {  	_ =	swait.ge @!p0 [sflag:s30], $0x8000;
	s28 =	sadd.s32 s29, s8  }
0x15: {  	[sflag:s30] =	ssyncset.done @!p0 $0x0;
	s28 =	sshrl.u32 s28, $0x3  }
0x16: {  	[sflag:s30] =	ssyncadd.s32 @!p0 $0xFFFF8000;
	s30 =	sadd.s32 s2, s28  }
0x17: {  	[tilespmem:s18], [sflag:$0x3] =	stream.strided.gather [hbm4b:s30+s15], $0x8000, s16, s15, $0x38;
	[tilespmem:$0x18000] =	vst v63  }
0x18: {  	_ =	swait.ge [sflag:s19], $0x8000  }
0x19: {  	[sflag:s19] =	ssyncset.done $0x0  }
0x1a: {  	s30 =	simm.s32 $0x0;
	[sflag:s19] =	ssyncadd.s32 $0xFFFF8000  }
0x1b: {  	v11 =	vld [tilespmem:s30+$0x0]  }
0x1c: {  	v13 =	vld [tilespmem:s30+$0x10]  }
0x1d: {  	v12 =	vld [tilespmem:s30+$0x20]  }
0x1e: {  	v10 =	vld [tilespmem:s30+$0x30]  }
0x1f: {  	v8 =	vld [tilespmem:s30+$0x40]  }
0x20: {  	v9 =	vld [tilespmem:s30+$0x50];
	v7 =	vadd.f32 v11, v7  }
0x21: {  	s31 =	simm.s32 $0x200;
	v6 =	vadd.f32 v13, v6;
	v11 =	vld [tilespmem:s30+$0x60]  }
.LBB2_3:
0x22: {  	s1 =	sshra.s32 s31, $0x2;
	p0 =	sne.s32 s31, $0x1FE00;
	[tilespmem:s30+$0x0] =	vst v7;
	v5 =	vadd.f32 v12, v5;
	v13 =	vld [tilespmem:s30+$0x70]  }
0x23: {  	v14 =	vld [tilespmem:s1+$0x0];
	[tilespmem:s30+$0x10] =	vst v6;
	v4 =	vadd.f32 v10, v4  }
0x24: {  	v15 =	vld [tilespmem:s1+$0x10];
	[tilespmem:s30+$0x20] =	vst v5;
	v3 =	vadd.f32 v8, v3  }
.Ltmp0:
0x25: {  	v12 =	vld [tilespmem:s1+$0x20];
	[tilespmem:s30+$0x30] =	vst v4;
	v2 =	vadd.f32 v9, v2;
	(pc) =	sbr.rel @p0 .LBB2_3-.Ltmp0, $4  }
0x26: {  	v10 =	vld [tilespmem:s1+$0x30];
	[tilespmem:s30+$0x40] =	vst v3;
	v1 =	vadd.f32 v11, v1  }
0x27: {  	v8 =	vld [tilespmem:s1+$0x40];
	[tilespmem:s30+$0x50] =	vst v2;
	v0 =	vadd.f32 v13, v0  }
0x28: {  	v7 =	vadd.f32 v14, v7;
	v9 =	vld [tilespmem:s1+$0x50];
	[tilespmem:s30+$0x60] =	vst v1  }
0x29: {  	s31 =	sadd.s32 $0x200, s31;
	v6 =	vadd.f32 v15, v6;
	v11 =	vld [tilespmem:s1+$0x60];
	[tilespmem:s30+$0x70] =	vst v0;
	s30 =	smov.u32 s1  }
0x2a: {  	[tilespmem:s30+$0x0] =	vst v7;
	v5 =	vadd.f32 v12, v5;
	v12 =	vld [tilespmem:s30+$0x70]  }
0x2b: {  	[tilespmem:s30+$0x10] =	vst v6;
	v4 =	vadd.f32 v10, v4  }
0x2c: {  	[tilespmem:s30+$0x20] =	vst v5;
	v3 =	vadd.f32 v8, v3  }
0x2d: {  	[tilespmem:s30+$0x30] =	vst v4;
	v2 =	vadd.f32 v9, v2  }
0x2e: {  	[tilespmem:s30+$0x40] =	vst v3;
	v1 =	vadd.f32 v11, v1  }
0x2f: {  	s1 =	sadd.s32 s5, s29;
	[tilespmem:s30+$0x50] =	vst v2;
	v0 =	vadd.f32 v12, v0  }
0x30: {  	s1 =	sshrl.u32 s1, $0x3;
	[tilespmem:s30+$0x60] =	vst v1  }
0x31: {  	s1 =	sadd.s32 s3, s1;
	[tilespmem:s30+$0x70] =	vst v0;
	s30 =	simm.s32 $0x0  }
0x32: {  	[hbm4b:s1+s15] =	stream.strided.scatter [tilespmem:s30], [sflag:$0x4], $0x8000, s16, s15, $0x38;
	[tilespmem:$0x18000] =	vst v63  }
0x33: {  	s1 =	sadd.s32 s29, s9;
	_ =	swait.ge [sflag:s20], $0x8000  }
0x34: {  	s1 =	sshrl.u32 s1, $0x3;
	[sflag:s20] =	ssyncset.done $0x0  }
0x35: {  	s1 =	sadd.s32 s2, s1;
	[sflag:s20] =	ssyncadd.s32 $0xFFFF8000  }
0x36: {  	[tilespmem:s30], [sflag:$0x1] =	stream.strided.gather [hbm4b:s1+s15], $0x8000, s16, s15, $0x38;
	[tilespmem:$0x18000] =	vst v63  }
0x37: {  	_ =	swait.ge [sflag:s21], $0x8000  }
0x38: {  	[sflag:s21] =	ssyncset.done $0x0  }
0x39: {  	s30 =	simm.s32 $0x0;
	[sflag:s21] =	ssyncadd.s32 $0xFFFF8000  }
0x3a: {  	v11 =	vld [tilespmem:s30+$0x8000]  }
0x3b: {  	v13 =	vld [tilespmem:s30+$0x8010]  }
0x3c: {  	v12 =	vld [tilespmem:s30+$0x8020]  }
0x3d: {  	v10 =	vld [tilespmem:s30+$0x8030]  }
0x3e: {  	v8 =	vld [tilespmem:s30+$0x8040]  }
0x3f: {  	v9 =	vld [tilespmem:s30+$0x8050];
	v7 =	vadd.f32 v11, v7  }
0x40: {  	s31 =	simm.s32 $0x200;
	v6 =	vadd.f32 v13, v6;
	v11 =	vld [tilespmem:s30+$0x8060]  }
.LBB2_5:
0x41: {  	s1 =	sshra.s32 s31, $0x2;
	p0 =	sne.s32 s31, $0x1FE00;
	[tilespmem:s30+$0x8000] =	vst v7;
	v5 =	vadd.f32 v12, v5;
	v13 =	vld [tilespmem:s30+$0x8070]  }
0x42: {  	v14 =	vld [tilespmem:s1+$0x8000];
	[tilespmem:s30+$0x8010] =	vst v6;
	v4 =	vadd.f32 v10, v4  }
0x43: {  	v15 =	vld [tilespmem:s1+$0x8010];
	[tilespmem:s30+$0x8020] =	vst v5;
	v3 =	vadd.f32 v8, v3  }
.Ltmp1:
0x44: {  	v12 =	vld [tilespmem:s1+$0x8020];
	[tilespmem:s30+$0x8030] =	vst v4;
	v2 =	vadd.f32 v9, v2;
	(pc) =	sbr.rel @p0 .LBB2_5-.Ltmp1, $4  }
0x45: {  	v10 =	vld [tilespmem:s1+$0x8030];
	[tilespmem:s30+$0x8040] =	vst v3;
	v1 =	vadd.f32 v11, v1  }
0x46: {  	v8 =	vld [tilespmem:s1+$0x8040];
	[tilespmem:s30+$0x8050] =	vst v2;
	v0 =	vadd.f32 v13, v0  }
0x47: {  	v7 =	vadd.f32 v14, v7;
	v9 =	vld [tilespmem:s1+$0x8050];
	[tilespmem:s30+$0x8060] =	vst v1  }
0x48: {  	s31 =	sadd.s32 $0x200, s31;
	v6 =	vadd.f32 v15, v6;
	v11 =	vld [tilespmem:s1+$0x8060];
	[tilespmem:s30+$0x8070] =	vst v0;
	s30 =	smov.u32 s1  }
0x49: {  	[tilespmem:s30+$0x8000] =	vst v7;
	v5 =	vadd.f32 v12, v5;
	v12 =	vld [tilespmem:s30+$0x8070]  }
0x4a: {  	[tilespmem:s30+$0x8010] =	vst v6;
	v4 =	vadd.f32 v10, v4  }
0x4b: {  	[tilespmem:s30+$0x8020] =	vst v5;
	v3 =	vadd.f32 v8, v3  }
0x4c: {  	[tilespmem:s30+$0x8030] =	vst v4;
	v2 =	vadd.f32 v9, v2  }
0x4d: {  	[tilespmem:s30+$0x8040] =	vst v3;
	v1 =	vadd.f32 v11, v1  }
0x4e: {  	s1 =	sadd.s32 s29, s10;
	[tilespmem:s30+$0x8050] =	vst v2;
	v0 =	vadd.f32 v12, v0  }
0x4f: {  	s1 =	sshrl.u32 s1, $0x3;
	[tilespmem:s30+$0x8060] =	vst v1  }
0x50: {  	s1 =	sadd.s32 s3, s1;
	[tilespmem:s30+$0x8070] =	vst v0  }
0x51: {  	[hbm4b:s1+s15] =	stream.strided.scatter [tilespmem:s17], [sflag:$0x5], $0x8000, s16, s15, $0x38;
	[tilespmem:$0x18000] =	vst v63  }
0x52: {  	s31 =	sadd.s32 s29, s11;
	_ =	swait.ge [sflag:s22], $0x8000  }
0x53: {  	s1 =	sshrl.u32 s31, $0x3;
	[sflag:s22] =	ssyncset.done $0x0  }
0x54: {  	s1 =	sadd.s32 s2, s1;
	[sflag:s22] =	ssyncadd.s32 $0xFFFF8000  }
0x55: {  	[tilespmem:s17], [sflag:$0x2] =	stream.strided.gather [hbm4b:s1+s15], $0x8000, s16, s15, $0x38;
	[tilespmem:$0x18000] =	vst v63  }
0x56: {  	_ =	swait.ge [sflag:s23], $0x8000  }
0x57: {  	[sflag:s23] =	ssyncset.done $0x0  }
0x58: {  	s29 =	simm.s32 $0x0;
	[sflag:s23] =	ssyncadd.s32 $0xFFFF8000  }
0x59: {  	v11 =	vld [tilespmem:s29+$0x10000]  }
0x5a: {  	v13 =	vld [tilespmem:s29+$0x10010]  }
0x5b: {  	v12 =	vld [tilespmem:s29+$0x10020]  }
0x5c: {  	v10 =	vld [tilespmem:s29+$0x10030]  }
0x5d: {  	v8 =	vld [tilespmem:s29+$0x10040]  }
0x5e: {  	v9 =	vld [tilespmem:s29+$0x10050];
	v7 =	vadd.f32 v11, v7  }
0x5f: {  	s30 =	simm.s32 $0x200;
	v6 =	vadd.f32 v13, v6;
	v11 =	vld [tilespmem:s29+$0x10060]  }
.LBB2_7:
0x60: {  	s1 =	sshra.s32 s30, $0x2;
	p0 =	sne.s32 s30, $0x1FE00;
	[tilespmem:s29+$0x10000] =	vst v7;
	v5 =	vadd.f32 v12, v5;
	v13 =	vld [tilespmem:s29+$0x10070]  }
0x61: {  	v14 =	vld [tilespmem:s1+$0x10000];
	[tilespmem:s29+$0x10010] =	vst v6;
	v4 =	vadd.f32 v10, v4  }
0x62: {  	v15 =	vld [tilespmem:s1+$0x10010];
	[tilespmem:s29+$0x10020] =	vst v5;
	v3 =	vadd.f32 v8, v3  }
.Ltmp2:
0x63: {  	v12 =	vld [tilespmem:s1+$0x10020];
	[tilespmem:s29+$0x10030] =	vst v4;
	v2 =	vadd.f32 v9, v2;
	(pc) =	sbr.rel @p0 .LBB2_7-.Ltmp2, $4  }
0x64: {  	v10 =	vld [tilespmem:s1+$0x10030];
	[tilespmem:s29+$0x10040] =	vst v3;
	v1 =	vadd.f32 v11, v1  }
0x65: {  	v8 =	vld [tilespmem:s1+$0x10040];
	[tilespmem:s29+$0x10050] =	vst v2;
	v0 =	vadd.f32 v13, v0  }
0x66: {  	v7 =	vadd.f32 v14, v7;
	v9 =	vld [tilespmem:s1+$0x10050];
	[tilespmem:s29+$0x10060] =	vst v1  }
0x67: {  	s30 =	sadd.s32 $0x200, s30;
	v6 =	vadd.f32 v15, v6;
	v11 =	vld [tilespmem:s1+$0x10060];
	[tilespmem:s29+$0x10070] =	vst v0;
	s29 =	smov.u32 s1  }
0x68: {  	[tilespmem:s29+$0x10000] =	vst v7;
	v5 =	vadd.f32 v12, v5;
	v63 =	vld [tilespmem:s29+$0x10070]  }
0x69: {  	[tilespmem:s29+$0x10010] =	vst v6;
	v4 =	vadd.f32 v10, v4  }
0x6a: {  	s26 =	sadd.s32 $0x1, s26;
	[tilespmem:s29+$0x10020] =	vst v5;
	v3 =	vadd.f32 v8, v3  }
0x6b: {  	p0 =	sne.s32 s26, $0xA;
	[tilespmem:s29+$0x10030] =	vst v4;
	v2 =	vadd.f32 v9, v2  }
.Ltmp3:
0x6c: {  	[tilespmem:s29+$0x10040] =	vst v3;
	v1 =	vadd.f32 v11, v1;
	(pc) =	sbr.rel @p0 .LBB2_2-.Ltmp3, $4  }
0x6d: {  	[tilespmem:s29+$0x10050] =	vst v2;
	v0 =	vadd.f32 v63, v0  }
0x6e: {  	[tilespmem:s29+$0x10060] =	vst v1  }
0x6f: {  	s1 =	sadd.s32 s3, s28;
	[tilespmem:s29+$0x10070] =	vst v0  }
0x70: {  	[hbm4b:s1+s15] =	stream.strided.scatter [tilespmem:s18], [sflag:$0x6], $0x8000, s16, s15, $0x38;
	[tilespmem:$0x18000] =	vst v63  }
0x71: {  	_ =	swait.ge [sflag:s19], $0x8000  }
0x72: {  	[sflag:s19] =	ssyncset.done $0x0  }
0x73: {  	s26 =	simm.s32 $0x0;
	[sflag:s19] =	ssyncadd.s32 $0xFFFF8000  }
0x74: {  	v11 =	vld [tilespmem:s26+$0x0]  }
0x75: {  	v13 =	vld [tilespmem:s26+$0x10]  }
0x76: {  	v12 =	vld [tilespmem:s26+$0x20]  }
0x77: {  	v10 =	vld [tilespmem:s26+$0x30]  }
0x78: {  	v8 =	vld [tilespmem:s26+$0x40]  }
0x79: {  	v9 =	vld [tilespmem:s26+$0x50];
	v7 =	vadd.f32 v11, v7  }
0x7a: {  	s28 =	simm.s32 $0x200;
	v6 =	vadd.f32 v13, v6;
	v11 =	vld [tilespmem:s26+$0x60]  }
.LBB2_10:
0x7b: {  	s1 =	sshra.s32 s28, $0x2;
	p0 =	sne.s32 s28, $0x1FE00;
	[tilespmem:s26+$0x0] =	vst v7;
	v5 =	vadd.f32 v12, v5;
	v13 =	vld [tilespmem:s26+$0x70]  }
0x7c: {  	v14 =	vld [tilespmem:s1+$0x0];
	[tilespmem:s26+$0x10] =	vst v6;
	v4 =	vadd.f32 v10, v4  }
0x7d: {  	v15 =	vld [tilespmem:s1+$0x10];
	[tilespmem:s26+$0x20] =	vst v5;
	v3 =	vadd.f32 v8, v3  }
.Ltmp4:
0x7e: {  	v12 =	vld [tilespmem:s1+$0x20];
	[tilespmem:s26+$0x30] =	vst v4;
	v2 =	vadd.f32 v9, v2;
	(pc) =	sbr.rel @p0 .LBB2_10-.Ltmp4, $4  }
0x7f: {  	v10 =	vld [tilespmem:s1+$0x30];
	[tilespmem:s26+$0x40] =	vst v3;
	v1 =	vadd.f32 v11, v1  }
0x80: {  	v8 =	vld [tilespmem:s1+$0x40];
	[tilespmem:s26+$0x50] =	vst v2;
	v0 =	vadd.f32 v13, v0  }
0x81: {  	v7 =	vadd.f32 v14, v7;
	v9 =	vld [tilespmem:s1+$0x50];
	[tilespmem:s26+$0x60] =	vst v1  }
0x82: {  	s28 =	sadd.s32 $0x200, s28;
	v6 =	vadd.f32 v15, v6;
	v11 =	vld [tilespmem:s1+$0x60];
	[tilespmem:s26+$0x70] =	vst v0;
	s26 =	smov.u32 s1  }
0x83: {  	[tilespmem:s26+$0x0] =	vst v7;
	v5 =	vadd.f32 v12, v5;
	v12 =	vld [tilespmem:s26+$0x70]  }
0x84: {  	[tilespmem:s26+$0x10] =	vst v6;
	v4 =	vadd.f32 v10, v4  }
0x85: {  	[tilespmem:s26+$0x20] =	vst v5;
	v3 =	vadd.f32 v8, v3  }
0x86: {  	[tilespmem:s26+$0x30] =	vst v4;
	v2 =	vadd.f32 v9, v2  }
0x87: {  	[tilespmem:s26+$0x40] =	vst v3;
	v1 =	vadd.f32 v11, v1  }
0x88: {  	[tilespmem:s26+$0x50] =	vst v2;
	v0 =	vadd.f32 v12, v0  }
0x89: {  	[tilespmem:s26+$0x60] =	vst v1  }
0x8a: {  	s1 =	simm.s32 $0x0;
	[tilespmem:s26+$0x70] =	vst v0  }
0x8b: {  	[hbm4b:s12+s15] =	stream.strided.scatter [tilespmem:s1], [sflag:$0x4], $0x8000, s16, s15, $0x38;
	[tilespmem:$0x18000] =	vst v63  }
0x8c: {  	_ =	swait.ge [sflag:s21], $0x8000  }
0x8d: {  	[sflag:s21] =	ssyncset.done $0x0  }
0x8e: {  	s26 =	simm.s32 $0x0;
	[sflag:s21] =	ssyncadd.s32 $0xFFFF8000  }
0x8f: {  	v11 =	vld [tilespmem:s26+$0x8000]  }
0x90: {  	v13 =	vld [tilespmem:s26+$0x8010]  }
0x91: {  	v12 =	vld [tilespmem:s26+$0x8020]  }
0x92: {  	v10 =	vld [tilespmem:s26+$0x8030]  }
0x93: {  	v8 =	vld [tilespmem:s26+$0x8040]  }
0x94: {  	v9 =	vld [tilespmem:s26+$0x8050];
	v7 =	vadd.f32 v11, v7  }
0x95: {  	s28 =	simm.s32 $0x200;
	v6 =	vadd.f32 v13, v6;
	v11 =	vld [tilespmem:s26+$0x8060]  }
.LBB2_12:
0x96: {  	s1 =	sshra.s32 s28, $0x2;
	p0 =	sne.s32 s28, $0x1FE00;
	[tilespmem:s26+$0x8000] =	vst v7;
	v5 =	vadd.f32 v12, v5;
	v13 =	vld [tilespmem:s26+$0x8070]  }
0x97: {  	v14 =	vld [tilespmem:s1+$0x8000];
	[tilespmem:s26+$0x8010] =	vst v6;
	v4 =	vadd.f32 v10, v4  }
0x98: {  	v15 =	vld [tilespmem:s1+$0x8010];
	[tilespmem:s26+$0x8020] =	vst v5;
	v3 =	vadd.f32 v8, v3  }
.Ltmp5:
0x99: {  	v12 =	vld [tilespmem:s1+$0x8020];
	[tilespmem:s26+$0x8030] =	vst v4;
	v2 =	vadd.f32 v9, v2;
	(pc) =	sbr.rel @p0 .LBB2_12-.Ltmp5, $4  }
0x9a: {  	v10 =	vld [tilespmem:s1+$0x8030];
	[tilespmem:s26+$0x8040] =	vst v3;
	v1 =	vadd.f32 v11, v1  }
0x9b: {  	v8 =	vld [tilespmem:s1+$0x8040];
	[tilespmem:s26+$0x8050] =	vst v2;
	v0 =	vadd.f32 v13, v0  }
0x9c: {  	v7 =	vadd.f32 v14, v7;
	v9 =	vld [tilespmem:s1+$0x8050];
	[tilespmem:s26+$0x8060] =	vst v1  }
0x9d: {  	s28 =	sadd.s32 $0x200, s28;
	v6 =	vadd.f32 v15, v6;
	v11 =	vld [tilespmem:s1+$0x8060];
	[tilespmem:s26+$0x8070] =	vst v0;
	s26 =	smov.u32 s1  }
0x9e: {  	[tilespmem:s26+$0x8000] =	vst v7;
	v5 =	vadd.f32 v12, v5;
	v63 =	vld [tilespmem:s26+$0x8070]  }
0x9f: {  	[tilespmem:s26+$0x8010] =	vst v6;
	v4 =	vadd.f32 v10, v4  }
0xa0: {  	[tilespmem:s26+$0x8020] =	vst v5;
	v3 =	vadd.f32 v8, v3  }
0xa1: {  	[tilespmem:s26+$0x8030] =	vst v4;
	v2 =	vadd.f32 v9, v2  }
0xa2: {  	[tilespmem:s26+$0x8040] =	vst v3;
	v1 =	vadd.f32 v11, v1  }
0xa3: {  	[tilespmem:s26+$0x8050] =	vst v2;
	v0 =	vadd.f32 v63, v0  }
0xa4: {  	[tilespmem:s26+$0x8060] =	vst v1  }
0xa5: {  	[tilespmem:s26+$0x8070] =	vst v0  }
0xa6: {  	[hbm4b:s13+s15] =	stream.strided.scatter [tilespmem:s17], [sflag:$0x5], $0x8000, s16, s15, $0x38;
	[tilespmem:$0x18000] =	vst v63  }
0xa7: {  	_ =	swait.ge [sflag:s24], $0x8000  }
0xa8: {  	[sflag:s24] =	ssyncset.done $0x0  }
0xa9: {  	s25 =	sadd.s32 $0x1, s25;
	[sflag:s24] =	ssyncadd.s32 $0xFFFF8000  }
0xaa: {  	p0 =	sne.s32 s25, s14;
	_ =	swait.ge [sflag:s20], $0x8000  }
.Ltmp6:
0xab: {  	[sflag:s20] =	ssyncset.done $0x0;
	(pc) =	sbr.rel @p0 .LBB2_1-.Ltmp6, $4  }
0xac: {  	[sflag:s20] =	ssyncadd.s32 $0xFFFF8000  }
0xad: {  	_ =	swait.ge [sflag:s22], $0x8000  }
0xae: {  	[sflag:s22] =	ssyncset.done $0x0  }
0xaf: {  	[sflag:s22] =	ssyncadd.s32 $0xFFFF8000  }
0xb0: {  	_ =	sfence.sel $0x180000  }
0xb1: {  	[bflag:$0x0] =	sbarrier.arrive $0xFFFF  }
0xb2: {  	_ =	strace $0x90000047  }
0xb3: {  	[bflag:$0x2] =	sbarrier.arrive $0xFFFF  }
0xb4: {  	p0 =	sne.s32 s0, $0x0;
	s0 =	rddreg [dreg:$0x2]  }
0xb5: {  	s0 =	sadd.s32 @!p0 $0x100000, s0  }
0xb6: {  	[sflag:s0] =	ssyncadd.tile.s32 @!p0 $0x1;
	_ =	shalt  }
.Lfunc_end2:
_tile_overlayer_lowered:
.L_overlay_start_2:
0xb7: {  	(tag) =	ssettag $0x2  }
0xb8: {  	s0 =	rddreg [dreg:$0x0];
	s2 =	stileid.u32  }
0xb9: {  	s1 =	rddreg [dreg:$0x1];
	p0 =	sne.s32 s2, $0x0  }
0xba: {  	s3 =	rddreg [dreg:$0x2];
	[bflag:$0x3] =	sbarrier.arrive $0xFFFF;
	s2 =	simm.s32 @!p0 $0x1C07  }
0xbb: {  	[timem:s3], [sflag:s2] =	dma.local @!p0 [hbm:s0], s1  }
0xbc: {  	s0 =	simm.s32 @!p0 $0x7  }
0xbd: {  	_ =	swait.ge @!p0 [sflag:s0], s1  }
0xbe: {  	s1 =	ssub.s32 @!p0 $0x0, s1;
	[sflag:s0] =	ssyncset.done @!p0 $0x0  }
0xbf: {  	[sflag:s0] =	ssyncadd.s32 @!p0 s1  }
0xc0: {  	[bflag:$0x3] =	sbarrier.arrive $0xFFFF  }
0xc1: {  	_ =	shalt  }

</sc_bundles>
